<compile_context>
chip_gen: v7x
topology: tpu7x:2x2x1
jax: 0.10.2.dev20260603
libtpu: 0.0.44.dev20260713+nightly
codegen_flags: <defaults>
</compile_context>

<pallas_src>
import functools

import jax
import jax.numpy as jnp
from jax import lax
from jax.experimental import pallas as pl
from jax.experimental.pallas import tpu as pltpu
from jax.experimental.pallas import tpu_sc as plsc

N_NODES = 10000
N_EDGES = 320000
FEAT = 128

NC = 2
NS = 16
NW = NC * NS
EPT = N_EDGES // NW
FPT = FEAT // NW
NPAD = 10240
G = 2000
NGRP = N_EDGES // G
CPG = G // 16


def _proj_body(x_ref, w_ref, a_ref, h_ref, s_ref):
    h = jnp.dot(x_ref[...], w_ref[...], preferred_element_type=jnp.float32,
                precision=lax.Precision.HIGHEST)
    h_ref[...] = h
    s_ref[...] = jnp.dot(h, a_ref[...], preferred_element_type=jnp.float32,
                         precision=lax.Precision.HIGHEST)


_proj = pl.pallas_call(
    _proj_body,
    grid=(10,),
    in_specs=[
        pl.BlockSpec((N_NODES // 10, FEAT), lambda i: (i, 0)),
        pl.BlockSpec((FEAT, FEAT), lambda i: (0, 0)),
        pl.BlockSpec((FEAT, 2), lambda i: (0, 0)),
    ],
    out_specs=[
        pl.BlockSpec((N_NODES // 10, FEAT), lambda i: (i, 0)),
        pl.BlockSpec((N_NODES // 10, 2), lambda i: (i, 0)),
    ],
    out_shape=[
        jax.ShapeDtypeStruct((N_NODES, FEAT), jnp.float32),
        jax.ShapeDtypeStruct((N_NODES, 2), jnp.float32),
    ],
)


_mesh = plsc.VectorSubcoreMesh(core_axis_name="c", subcore_axis_name="s")


@functools.partial(
    pl.kernel,
    out_type=[
        jax.ShapeDtypeStruct((N_EDGES,), jnp.float32),
        jax.ShapeDtypeStruct((NW, NPAD), jnp.float32),
    ],
    mesh=_mesh,
    compiler_params=pltpu.CompilerParams(needs_layout_passes=False),
    scratch_types=[
        pltpu.VMEM((EPT,), jnp.int32),
        pltpu.VMEM((EPT,), jnp.int32),
        pltpu.VMEM((N_NODES,), jnp.float32),
        pltpu.VMEM((N_NODES,), jnp.float32),
        pltpu.VMEM((EPT,), jnp.float32),
        pltpu.VMEM((NPAD,), jnp.float32),
    ],
)
def _wden_kernel(s1_hbm, s2_hbm, src_hbm, dst_hbm, w_out, den_out,
                 src_v, dst_v, s1_v, s2_v, w_v, den_v):
    c = lax.axis_index("c")
    s = lax.axis_index("s")
    wid = s * NC + c

    pltpu.sync_copy(src_hbm.at[pl.ds(wid * EPT, EPT)], src_v)
    pltpu.sync_copy(dst_hbm.at[pl.ds(wid * EPT, EPT)], dst_v)
    pltpu.sync_copy(s1_hbm, s1_v)
    pltpu.sync_copy(s2_hbm, s2_v)

    zero = jnp.zeros((16,), jnp.float32)

    def _zero_den(i, _):
        den_v[pl.ds(i * 16, 16)] = zero
        return 0

    lax.fori_loop(0, NPAD // 16, _zero_den, 0)

    @plsc.parallel_loop(0, EPT // 16, 1, unroll=5)
    def _chunk(i):
        base = i * 16
        s16 = src_v[pl.ds(base, 16)]
        d16 = dst_v[pl.ds(base, 16)]
        e = plsc.load_gather(s1_v, [s16]) + plsc.load_gather(s2_v, [d16])
        e = jnp.maximum(e, 0.2 * e)
        w = jnp.exp(e)
        w_v[pl.ds(base, 16)] = w
        plsc.addupdate_scatter(den_v, [d16], w)

    pltpu.sync_copy(w_v, w_out.at[pl.ds(wid * EPT, EPT)])
    pltpu.sync_copy(den_v, den_out.at[wid])


@functools.partial(
    pl.kernel,
    out_type=jax.ShapeDtypeStruct((NW, FPT * NPAD), jnp.float32),
    mesh=_mesh,
    compiler_params=pltpu.CompilerParams(needs_layout_passes=False),
    scratch_types=[
        pltpu.VMEM((FPT * N_NODES,), jnp.float32),
        pltpu.VMEM((FPT * NPAD,), jnp.float32),
        [pltpu.VMEM((G,), jnp.int32) for _ in range(2)],
        [pltpu.VMEM((G,), jnp.int32) for _ in range(2)],
        [pltpu.VMEM((G,), jnp.float32) for _ in range(2)],
        [pltpu.SemaphoreType.DMA for _ in range(2)],
    ],
)
def _colagg_kernel(ht_hbm, src_hbm, dst_hbm, w_hbm, acc_out,
                   hcol_v, acc_v, srcg, dstg, wg, sems):
    c = lax.axis_index("c")
    s = lax.axis_index("s")
    wid = s * NC + c

    pltpu.sync_copy(ht_hbm.at[pl.ds(wid * (FPT * N_NODES), FPT * N_NODES)],
                    hcol_v)

    zero = jnp.zeros((16,), jnp.float32)

    def _zero_acc(i, _):
        acc_v[pl.ds(i * 16, 16)] = zero
        return 0

    lax.fori_loop(0, (FPT * NPAD) // 16, _zero_acc, 0)

    def _stage(g, b):
        sl = pl.ds(g * G, G)
        pltpu.async_copy(src_hbm.at[sl], srcg[b], sems[b])
        pltpu.async_copy(dst_hbm.at[sl], dstg[b], sems[b])
        pltpu.async_copy(w_hbm.at[sl], wg[b], sems[b])

    def _drain(b):
        sl = pl.ds(0, G)
        pltpu.make_async_copy(src_hbm.at[sl], srcg[b], sems[b]).wait()
        pltpu.make_async_copy(dst_hbm.at[sl], dstg[b], sems[b]).wait()
        pltpu.make_async_copy(w_hbm.at[sl], wg[b], sems[b]).wait()

    _stage(0, 0)
    _stage(1, 1)

    def _group(g, _):
        for b in range(2):
            gg = g * 2 + b
            _drain(b)
            sv, dv, wv = srcg[b], dstg[b], wg[b]

            @plsc.parallel_loop(0, CPG, 1, unroll=5)
            def _chunk(i):
                base = i * 16
                s16 = sv[pl.ds(base, 16)]
                d16 = dv[pl.ds(base, 16)]
                w16 = wv[pl.ds(base, 16)]
                for fl in range(FPT):
                    col = plsc.load_gather(hcol_v, [s16 + fl * N_NODES])
                    plsc.addupdate_scatter(acc_v, [d16 + fl * NPAD],
                                           col * w16)

            @pl.when(gg + 2 < NGRP)
            def _():
                _stage(gg + 2, b)
        return 0

    lax.fori_loop(0, NGRP // 2, _group, 0)

    pltpu.sync_copy(acc_v, acc_out.at[wid])


def _combine_body(acc_ref, den_ref, o_ref):
    a = acc_ref[...]
    den = jnp.sum(den_ref[...], axis=0)
    den = jnp.where(den == 0.0, 1.0, den)
    x = a / den[None, :]
    o_ref[...] = jnp.where(x > 0, x, jnp.exp(jnp.minimum(x, 0.0)) - 1.0)


_CBLK = 1024

_combine = pl.pallas_call(
    _combine_body,
    grid=(NPAD // _CBLK,),
    in_specs=[
        pl.BlockSpec((FEAT, _CBLK), lambda i: (0, i)),
        pl.BlockSpec((NW, _CBLK), lambda i: (0, i)),
    ],
    out_specs=pl.BlockSpec((FEAT, _CBLK), lambda i: (0, i)),
    out_shape=jax.ShapeDtypeStruct((FEAT, NPAD), jnp.float32),
)


def kernel(features, edge_src, edge_dst, W, a):
    n, b, f = features.shape
    x = features.reshape(n, f)
    A = a.reshape(2, f).T
    h, sc = _proj(x, W, A)
    w_e, den = _wden_kernel(sc[:, 0], sc[:, 1], edge_src, edge_dst)
    ht_flat = h.T.reshape(-1)
    acc = _colagg_kernel(ht_flat, edge_src, edge_dst, w_e)
    acc_t = acc.reshape(FEAT, NPAD)
    out_t = _combine(acc_t, den)
    return out_t[:, :n].T.reshape(n, b, f)

# --- scband reference (transcript-rebuilt; emitter-appended) ---
"""Pipeline reference for scband-graph-attention-29738353557518 (READ-ONLY COPY).

The authoritative reference and input builder live on the scoring server;
editing this copy changes nothing except your own understanding.
"""

import jax, jax.numpy as jnp
import numpy as np

N_NODES = 10000
N_EDGES = 320000
IN_FEAT = 128
OUT_FEAT = 128
BATCH = 1


def setup_inputs(seed: int = 0) -> dict:
    key = jax.random.key(seed)
    k1, k2, k3, k4, k5 = jax.random.split(key, 5)
    features = jax.random.normal(k1, (N_NODES, BATCH, IN_FEAT), dtype=jnp.float32)
    edge_src = jax.random.randint(k2, (N_EDGES,), 0, N_NODES, dtype=jnp.int32)
    edge_dst = jax.random.randint(k3, (N_EDGES,), 0, N_NODES, dtype=jnp.int32)
    # learned parameters for the single attention head (glorot-ish scale)
    W = jax.random.normal(k4, (IN_FEAT, OUT_FEAT), dtype=jnp.float32) * 0.05
    a = jax.random.normal(k5, (2 * OUT_FEAT, 1), dtype=jnp.float32) * 0.05
    return {"features": features, "edge_src": edge_src, "edge_dst": edge_dst, "W": W, "a": a}


def reference(features, edge_src, edge_dst, W, a):
    # features: [N, B, in_feat]; single head, concat_heads=False, activation='elu'
    h = jnp.tensordot(features, W, axes=[[2], [0]])          # [N, B, out_feat]
    h_src = jnp.take(h, edge_src, axis=0)                    # [E, B, out_feat]
    h_dst = jnp.take(h, edge_dst, axis=0)                    # [E, B, out_feat]
    concat = jnp.concatenate([h_src, h_dst], axis=-1)        # [E, B, 2*out_feat]
    e = jnp.squeeze(jnp.tensordot(concat, a, axes=[[2], [0]]), axis=-1)  # [E, B]
    e = jax.nn.leaky_relu(e, negative_slope=0.2)             # tf.nn.leaky_relu default alpha=0.2
    exp_e = jnp.exp(e)                                       # [E, B]
    denom = jax.ops.segment_sum(exp_e, edge_dst, num_segments=N_NODES)  # [N, B]
    alpha = exp_e / jnp.take(denom, edge_dst, axis=0)        # [E, B]
    weighted_src = h_src * alpha[..., None]                  # [E, B, out_feat]
    node_repr = jax.ops.segment_sum(weighted_src, edge_dst, num_segments=N_NODES)  # [N, B, out_feat]
    # attn_heads=1, concat_heads=False -> add_n([x]) / 1 == x
    return jax.nn.elu(node_repr)

if __name__ == "__main__":
    import jax
    _d = setup_inputs()
    print(jax.jit(kernel)(*tuple(_d.values())))

</pallas_src>

<mosaic_0001>
#map = affine_map<(d0, d1) -> (0)>
#map1 = affine_map<(d0, d1) -> (0, 0)>
module attributes {stable_mosaic.version = 14 : i64} {
  func.func @_colagg_kernel(%arg0: i32, %arg1: i32, %arg2: memref<1280000xf32, #tpu.memory_space<hbm>>, %arg3: memref<320000xi32, #tpu.memory_space<hbm>>, %arg4: memref<320000xi32, #tpu.memory_space<hbm>>, %arg5: memref<320000xf32, #tpu.memory_space<hbm>>, %arg6: memref<32x40960xf32, #tpu.memory_space<hbm>>, %arg7: memref<40000xf32, #tpu.memory_space<vmem>>, %arg8: memref<40960xf32, #tpu.memory_space<vmem>>, %arg9: memref<2000xi32, #tpu.memory_space<vmem>>, %arg10: memref<2000xi32, #tpu.memory_space<vmem>>, %arg11: memref<2000xi32, #tpu.memory_space<vmem>>, %arg12: memref<2000xi32, #tpu.memory_space<vmem>>, %arg13: memref<2000xf32, #tpu.memory_space<vmem>>, %arg14: memref<2000xf32, #tpu.memory_space<vmem>>, %arg15: memref<!tpu.dma_semaphore, #tpu.memory_space<semaphore_mem>>, %arg16: memref<!tpu.dma_semaphore, #tpu.memory_space<semaphore_mem>>) attributes {dimension_semantics = [#tpu.dimension_semantics<core_parallel>, #tpu.dimension_semantics<subcore_parallel>], iteration_bounds = array<i64: 2, 16>, scalar_prefetch = 0 : i64, scratch_operands = 10 : i64, tpu.core_type = #tpu.core_type<sc_vector_subcore>, window_params = [{transform_indices = #map}, {transform_indices = #map}, {transform_indices = #map}, {transform_indices = #map}, {transform_indices = #map1}]} {
    %mul3A = arith.constant 2 : i32
    %mul3A_0 = arith.muli %arg1, %mul3A : i32
    %add3A = arith.addi %mul3A_0, %arg0 : i32
    %mul3A_1 = arith.constant 40000 : i32
    %mul3A_2 = arith.muli %add3A, %mul3A_1 : i32
    "tpu.region"() ({
      %run_scoped3A = tpu.sem_alloc : memref<!tpu.dma_semaphore, #tpu.memory_space<semaphore_mem>>
      %dma_start3A_40 = tpu.memref_slice %arg2[%mul3A_2] : memref<1280000xf32, #tpu.memory_space<hbm>> -> memref<40000xf32, #tpu.memory_space<hbm>>
      %dma_start3A_41 = tpu.memref_slice %arg2[%mul3A_2] : memref<1280000xf32, #tpu.memory_space<hbm>> -> memref<40000xf32, #tpu.memory_space<hbm>>
      tpu.enqueue_dma source(%dma_start3A_41 : memref<40000xf32, #tpu.memory_space<hbm>>) target(%arg7 : memref<40000xf32, #tpu.memory_space<vmem>>) target_semaphore(%run_scoped3A : memref<!tpu.dma_semaphore, #tpu.memory_space<semaphore_mem>>)
      %dma_wait3A = tpu.memref_slice %arg2[%mul3A_2] : memref<1280000xf32, #tpu.memory_space<hbm>> -> memref<40000xf32, #tpu.memory_space<hbm>>
      %dma_wait3A_42 = tpu.memref_slice %arg2[%mul3A_2] : memref<1280000xf32, #tpu.memory_space<hbm>> -> memref<40000xf32, #tpu.memory_space<hbm>>
      tpu.wait_dma2 semaphore(%run_scoped3A : memref<!tpu.dma_semaphore, #tpu.memory_space<semaphore_mem>>) src(%dma_wait3A_42 : memref<40000xf32, #tpu.memory_space<hbm>>) dst(%arg7 : memref<40000xf32, #tpu.memory_space<vmem>>)
      tpu.yield
    }) : () -> ()
    %broadcast_in_dim3A = arith.constant 0.000000e+00 : f32
    %broadcast_in_dim3A_3 = vector.broadcast %broadcast_in_dim3A : f32 to vector<16xf32>
    %scan3A = arith.constant 0 : i32
    %scan3A_4 = arith.constant 0 : i32
    %scan3A_5 = arith.constant 2560 : i32
    %scan3A_6 = arith.addi %scan3A_4, %scan3A_5 : i32
    %scan3A_7 = arith.constant 1 : i32
    %scan3A_8 = scf.for %scan3A_40 = %scan3A_4 to %scan3A_6 step %scan3A_7 iter_args(%scan3A_41 = %scan3A) -> (i32)  : i32 {
      %mul3A_42 = arith.constant 16 : i32
      %mul3A_43 = arith.muli %scan3A_40, %mul3A_42 : i32
      %swap3A = arith.index_cast %mul3A_43 : i32 to index
      %swap3A_44 = tpu.vector_load %arg8[%swap3A] {strides = array<i32>} : memref<40960xf32, #tpu.memory_space<vmem>>, vector<16xf32>,
      tpu.vector_store %arg8[%swap3A], %broadcast_in_dim3A_3 {strides = array<i32>} : memref<40960xf32, #tpu.memory_space<vmem>>, vector<16xf32>,
      %scan3A_45 = arith.constant 0 : i32
      scf.yield %scan3A_45 : i32
    }
    %scan3A_9 = arith.constant 2560 : i32
    %dma_start3A = arith.constant 0 : i32
    %dma_start3A_10 = tpu.memref_slice %arg3[%dma_start3A] : memref<320000xi32, #tpu.memory_space<hbm>> -> memref<2000xi32, #tpu.memory_space<hbm>>
    %dma_start3A_11 = arith.constant 0 : i32
    %dma_start3A_12 = tpu.memref_slice %arg3[%dma_start3A_11] : memref<320000xi32, #tpu.memory_space<hbm>> -> memref<2000xi32, #tpu.memory_space<hbm>>
    tpu.enqueue_dma source(%dma_start3A_12 : memref<2000xi32, #tpu.memory_space<hbm>>) target(%arg9 : memref<2000xi32, #tpu.memory_space<vmem>>) target_semaphore(%arg15 : memref<!tpu.dma_semaphore, #tpu.memory_space<semaphore_mem>>)
    %dma_start3A_13 = arith.constant 0 : i32
    %dma_start3A_14 = tpu.memref_slice %arg4[%dma_start3A_13] : memref<320000xi32, #tpu.memory_space<hbm>> -> memref<2000xi32, #tpu.memory_space<hbm>>
    %dma_start3A_15 = arith.constant 0 : i32
    %dma_start3A_16 = tpu.memref_slice %arg4[%dma_start3A_15] : memref<320000xi32, #tpu.memory_space<hbm>> -> memref<2000xi32, #tpu.memory_space<hbm>>
    tpu.enqueue_dma source(%dma_start3A_16 : memref<2000xi32, #tpu.memory_space<hbm>>) target(%arg11 : memref<2000xi32, #tpu.memory_space<vmem>>) target_semaphore(%arg15 : memref<!tpu.dma_semaphore, #tpu.memory_space<semaphore_mem>>)
    %dma_start3A_17 = arith.constant 0 : i32
    %dma_start3A_18 = tpu.memref_slice %arg5[%dma_start3A_17] : memref<320000xf32, #tpu.memory_space<hbm>> -> memref<2000xf32, #tpu.memory_space<hbm>>
    %dma_start3A_19 = arith.constant 0 : i32
    %dma_start3A_20 = tpu.memref_slice %arg5[%dma_start3A_19] : memref<320000xf32, #tpu.memory_space<hbm>> -> memref<2000xf32, #tpu.memory_space<hbm>>
    tpu.enqueue_dma source(%dma_start3A_20 : memref<2000xf32, #tpu.memory_space<hbm>>) target(%arg13 : memref<2000xf32, #tpu.memory_space<vmem>>) target_semaphore(%arg15 : memref<!tpu.dma_semaphore, #tpu.memory_space<semaphore_mem>>)
    %dma_start3A_21 = arith.constant 2000 : i32
    %dma_start3A_22 = tpu.memref_slice %arg3[%dma_start3A_21] : memref<320000xi32, #tpu.memory_space<hbm>> -> memref<2000xi32, #tpu.memory_space<hbm>>
    %dma_start3A_23 = arith.constant 2000 : i32
    %dma_start3A_24 = tpu.memref_slice %arg3[%dma_start3A_23] : memref<320000xi32, #tpu.memory_space<hbm>> -> memref<2000xi32, #tpu.memory_space<hbm>>
    tpu.enqueue_dma source(%dma_start3A_24 : memref<2000xi32, #tpu.memory_space<hbm>>) target(%arg10 : memref<2000xi32, #tpu.memory_space<vmem>>) target_semaphore(%arg16 : memref<!tpu.dma_semaphore, #tpu.memory_space<semaphore_mem>>)
    %dma_start3A_25 = arith.constant 2000 : i32
    %dma_start3A_26 = tpu.memref_slice %arg4[%dma_start3A_25] : memref<320000xi32, #tpu.memory_space<hbm>> -> memref<2000xi32, #tpu.memory_space<hbm>>
    %dma_start3A_27 = arith.constant 2000 : i32
    %dma_start3A_28 = tpu.memref_slice %arg4[%dma_start3A_27] : memref<320000xi32, #tpu.memory_space<hbm>> -> memref<2000xi32, #tpu.memory_space<hbm>>
    tpu.enqueue_dma source(%dma_start3A_28 : memref<2000xi32, #tpu.memory_space<hbm>>) target(%arg12 : memref<2000xi32, #tpu.memory_space<vmem>>) target_semaphore(%arg16 : memref<!tpu.dma_semaphore, #tpu.memory_space<semaphore_mem>>)
    %dma_start3A_29 = arith.constant 2000 : i32
    %dma_start3A_30 = tpu.memref_slice %arg5[%dma_start3A_29] : memref<320000xf32, #tpu.memory_space<hbm>> -> memref<2000xf32, #tpu.memory_space<hbm>>
    %dma_start3A_31 = arith.constant 2000 : i32
    %dma_start3A_32 = tpu.memref_slice %arg5[%dma_start3A_31] : memref<320000xf32, #tpu.memory_space<hbm>> -> memref<2000xf32, #tpu.memory_space<hbm>>
    tpu.enqueue_dma source(%dma_start3A_32 : memref<2000xf32, #tpu.memory_space<hbm>>) target(%arg14 : memref<2000xf32, #tpu.memory_space<vmem>>) target_semaphore(%arg16 : memref<!tpu.dma_semaphore, #tpu.memory_space<semaphore_mem>>)
    %scan3A_33 = arith.constant 0 : i32
    %scan3A_34 = arith.constant 0 : i32
    %scan3A_35 = arith.constant 80 : i32
    %scan3A_36 = arith.addi %scan3A_34, %scan3A_35 : i32
    %scan3A_37 = arith.constant 1 : i32
    %scan3A_38 = scf.for %scan3A_40 = %scan3A_34 to %scan3A_36 step %scan3A_37 iter_args(%scan3A_41 = %scan3A_33) -> (i32)  : i32 {
      %mul3A_42 = arith.constant 2 : i32
      %mul3A_43 = arith.muli %scan3A_40, %mul3A_42 : i32
      %add3A_44 = arith.constant 0 : i32
      %add3A_45 = arith.addi %mul3A_43, %add3A_44 : i32
      %dma_wait3A = arith.constant 0 : i32
      %dma_wait3A_46 = tpu.memref_slice %arg3[%dma_wait3A] : memref<320000xi32, #tpu.memory_space<hbm>> -> memref<2000xi32, #tpu.memory_space<hbm>>
      %dma_wait3A_47 = arith.constant 0 : i32
      %dma_wait3A_48 = tpu.memref_slice %arg3[%dma_wait3A_47] : memref<320000xi32, #tpu.memory_space<hbm>> -> memref<2000xi32, #tpu.memory_space<hbm>>
      tpu.wait_dma2 semaphore(%arg15 : memref<!tpu.dma_semaphore, #tpu.memory_space<semaphore_mem>>) src(%dma_wait3A_48 : memref<2000xi32, #tpu.memory_space<hbm>>) dst(%arg9 : memref<2000xi32, #tpu.memory_space<vmem>>)
      %dma_wait3A_49 = arith.constant 0 : i32
      %dma_wait3A_50 = tpu.memref_slice %arg4[%dma_wait3A_49] : memref<320000xi32, #tpu.memory_space<hbm>> -> memref<2000xi32, #tpu.memory_space<hbm>>
      %dma_wait3A_51 = arith.constant 0 : i32
      %dma_wait3A_52 = tpu.memref_slice %arg4[%dma_wait3A_51] : memref<320000xi32, #tpu.memory_space<hbm>> -> memref<2000xi32, #tpu.memory_space<hbm>>
      tpu.wait_dma2 semaphore(%arg15 : memref<!tpu.dma_semaphore, #tpu.memory_space<semaphore_mem>>) src(%dma_wait3A_52 : memref<2000xi32, #tpu.memory_space<hbm>>) dst(%arg11 : memref<2000xi32, #tpu.memory_space<vmem>>)
      %dma_wait3A_53 = arith.constant 0 : i32
      %dma_wait3A_54 = tpu.memref_slice %arg5[%dma_wait3A_53] : memref<320000xf32, #tpu.memory_space<hbm>> -> memref<2000xf32, #tpu.memory_space<hbm>>
      %dma_wait3A_55 = arith.constant 0 : i32
      %dma_wait3A_56 = tpu.memref_slice %arg5[%dma_wait3A_55] : memref<320000xf32, #tpu.memory_space<hbm>> -> memref<2000xf32, #tpu.memory_space<hbm>>
      tpu.wait_dma2 semaphore(%arg15 : memref<!tpu.dma_semaphore, #tpu.memory_space<semaphore_mem>>) src(%dma_wait3A_56 : memref<2000xf32, #tpu.memory_space<hbm>>) dst(%arg13 : memref<2000xf32, #tpu.memory_space<vmem>>)
      %parallel_loop3A = arith.constant 0 : i32
      %parallel_loop3A_57 = arith.constant 125 : i32
      %parallel_loop3A_58 = arith.constant 1 : i32
      scf.for %parallel_loop3A_90 = %parallel_loop3A to %parallel_loop3A_57 step %parallel_loop3A_58  : i32 {
        %parallel_loop3A_91 = arith.constant 16 : i32
        %parallel_loop3A_92 = arith.muli %parallel_loop3A_90, %parallel_loop3A_91 : i32
        %parallel_loop3A_93 = arith.index_cast %parallel_loop3A_92 : i32 to index
        %parallel_loop3A_94 = tpu.vector_load %arg9[%parallel_loop3A_93] {strides = array<i32>} : memref<2000xi32, #tpu.memory_space<vmem>>, vector<16xi32>,
        %parallel_loop3A_95 = arith.index_cast %parallel_loop3A_92 : i32 to index
        %parallel_loop3A_96 = tpu.vector_load %arg11[%parallel_loop3A_95] {strides = array<i32>} : memref<2000xi32, #tpu.memory_space<vmem>>, vector<16xi32>,
        %parallel_loop3A_97 = arith.index_cast %parallel_loop3A_92 : i32 to index
        %parallel_loop3A_98 = tpu.vector_load %arg13[%parallel_loop3A_97] {strides = array<i32>} : memref<2000xf32, #tpu.memory_space<vmem>>, vector<16xf32>,
        %parallel_loop3A_99 = arith.constant 0 : i32
        %parallel_loop3A_100 = vector.broadcast %parallel_loop3A_99 : i32 to vector<16xi32>
        %parallel_loop3A_101 = arith.addi %parallel_loop3A_94, %parallel_loop3A_100 : vector<16xi32>
        %parallel_loop3A_102 = tpu.vector_load_idx %arg7[%parallel_loop3A_101] : memref<40000xf32, #tpu.memory_space<vmem>>[vector<16xi32>], vector<16xf32>,
        %parallel_loop3A_103 = arith.constant 0 : i32
        %parallel_loop3A_104 = vector.broadcast %parallel_loop3A_103 : i32 to vector<16xi32>
        %parallel_loop3A_105 = arith.addi %parallel_loop3A_96, %parallel_loop3A_104 : vector<16xi32>
        %parallel_loop3A_106 = arith.mulf %parallel_loop3A_102, %parallel_loop3A_98 : vector<16xf32>
        tpu.vector_store_idx %arg8[%parallel_loop3A_105], %parallel_loop3A_106 {add = true} : memref<40960xf32, #tpu.memory_space<vmem>>[vector<16xi32>], vector<16xf32>,
        %parallel_loop3A_107 = arith.constant 10000 : i32
        %parallel_loop3A_108 = vector.broadcast %parallel_loop3A_107 : i32 to vector<16xi32>
        %parallel_loop3A_109 = arith.addi %parallel_loop3A_94, %parallel_loop3A_108 : vector<16xi32>
        %parallel_loop3A_110 = tpu.vector_load_idx %arg7[%parallel_loop3A_109] : memref<40000xf32, #tpu.memory_space<vmem>>[vector<16xi32>], vector<16xf32>,
        %parallel_loop3A_111 = arith.constant 10240 : i32
        %parallel_loop3A_112 = vector.broadcast %parallel_loop3A_111 : i32 to vector<16xi32>
        %parallel_loop3A_113 = arith.addi %parallel_loop3A_96, %parallel_loop3A_112 : vector<16xi32>
        %parallel_loop3A_114 = arith.mulf %parallel_loop3A_110, %parallel_loop3A_98 : vector<16xf32>
        tpu.vector_store_idx %arg8[%parallel_loop3A_113], %parallel_loop3A_114 {add = true} : memref<40960xf32, #tpu.memory_space<vmem>>[vector<16xi32>], vector<16xf32>,
        %parallel_loop3A_115 = arith.constant 20000 : i32
        %parallel_loop3A_116 = vector.broadcast %parallel_loop3A_115 : i32 to vector<16xi32>
        %parallel_loop3A_117 = arith.addi %parallel_loop3A_94, %parallel_loop3A_116 : vector<16xi32>
        %parallel_loop3A_118 = tpu.vector_load_idx %arg7[%parallel_loop3A_117] : memref<40000xf32, #tpu.memory_space<vmem>>[vector<16xi32>], vector<16xf32>,
        %parallel_loop3A_119 = arith.constant 20480 : i32
        %parallel_loop3A_120 = vector.broadcast %parallel_loop3A_119 : i32 to vector<16xi32>
        %parallel_loop3A_121 = arith.addi %parallel_loop3A_96, %parallel_loop3A_120 : vector<16xi32>
        %parallel_loop3A_122 = arith.mulf %parallel_loop3A_118, %parallel_loop3A_98 : vector<16xf32>
        tpu.vector_store_idx %arg8[%parallel_loop3A_121], %parallel_loop3A_122 {add = true} : memref<40960xf32, #tpu.memory_space<vmem>>[vector<16xi32>], vector<16xf32>,
        %parallel_loop3A_123 = arith.constant 30000 : i32
        %parallel_loop3A_124 = vector.broadcast %parallel_loop3A_123 : i32 to vector<16xi32>
        %parallel_loop3A_125 = arith.addi %parallel_loop3A_94, %parallel_loop3A_124 : vector<16xi32>
        %parallel_loop3A_126 = tpu.vector_load_idx %arg7[%parallel_loop3A_125] : memref<40000xf32, #tpu.memory_space<vmem>>[vector<16xi32>], vector<16xf32>,
        %parallel_loop3A_127 = arith.constant 30720 : i32
        %parallel_loop3A_128 = vector.broadcast %parallel_loop3A_127 : i32 to vector<16xi32>
        %parallel_loop3A_129 = arith.addi %parallel_loop3A_96, %parallel_loop3A_128 : vector<16xi32>
        %parallel_loop3A_130 = arith.mulf %parallel_loop3A_126, %parallel_loop3A_98 : vector<16xf32>
        tpu.vector_store_idx %arg8[%parallel_loop3A_129], %parallel_loop3A_130 {add = true} : memref<40960xf32, #tpu.memory_space<vmem>>[vector<16xi32>], vector<16xf32>,
      } {sc.loop_unroll_factor = 5 : i64, sc.parallel_access}
      %add3A_59 = arith.constant 2 : i32
      %add3A_60 = arith.addi %add3A_45, %add3A_59 : i32
      %lt3A = arith.constant 160 : i32
      %lt3A_61 = arith.cmpi slt, %add3A_60, %lt3A : i32
      %convert_element_type3A = arith.extui %lt3A_61 : i1 to i32
      %cond3A = arith.constant 0 : i32
      %cond3A_62 = arith.cmpi ne, %convert_element_type3A, %cond3A : i32
      scf.if %cond3A_62 {
        %add3A_90 = arith.constant 2 : i32
        %add3A_91 = arith.addi %add3A_45, %add3A_90 : i32
        %mul3A_92 = arith.constant 2000 : i32
        %mul3A_93 = arith.muli %add3A_91, %mul3A_92 : i32
        %dma_start3A_94 = tpu.memref_slice %arg3[%mul3A_93] : memref<320000xi32, #tpu.memory_space<hbm>> -> memref<2000xi32, #tpu.memory_space<hbm>>
        %dma_start3A_95 = tpu.memref_slice %arg3[%mul3A_93] : memref<320000xi32, #tpu.memory_space<hbm>> -> memref<2000xi32, #tpu.memory_space<hbm>>
        tpu.enqueue_dma source(%dma_start3A_95 : memref<2000xi32, #tpu.memory_space<hbm>>) target(%arg9 : memref<2000xi32, #tpu.memory_space<vmem>>) target_semaphore(%arg15 : memref<!tpu.dma_semaphore, #tpu.memory_space<semaphore_mem>>)
        %dma_start3A_96 = tpu.memref_slice %arg4[%mul3A_93] : memref<320000xi32, #tpu.memory_space<hbm>> -> memref<2000xi32, #tpu.memory_space<hbm>>
        %dma_start3A_97 = tpu.memref_slice %arg4[%mul3A_93] : memref<320000xi32, #tpu.memory_space<hbm>> -> memref<2000xi32, #tpu.memory_space<hbm>>
        tpu.enqueue_dma source(%dma_start3A_97 : memref<2000xi32, #tpu.memory_space<hbm>>) target(%arg11 : memref<2000xi32, #tpu.memory_space<vmem>>) target_semaphore(%arg15 : memref<!tpu.dma_semaphore, #tpu.memory_space<semaphore_mem>>)
        %dma_start3A_98 = tpu.memref_slice %arg5[%mul3A_93] : memref<320000xf32, #tpu.memory_space<hbm>> -> memref<2000xf32, #tpu.memory_space<hbm>>
        %dma_start3A_99 = tpu.memref_slice %arg5[%mul3A_93] : memref<320000xf32, #tpu.memory_space<hbm>> -> memref<2000xf32, #tpu.memory_space<hbm>>
        tpu.enqueue_dma source(%dma_start3A_99 : memref<2000xf32, #tpu.memory_space<hbm>>) target(%arg13 : memref<2000xf32, #tpu.memory_space<vmem>>) target_semaphore(%arg15 : memref<!tpu.dma_semaphore, #tpu.memory_space<semaphore_mem>>)
      } else {
      }
      %mul3A_63 = arith.constant 2 : i32
      %mul3A_64 = arith.muli %scan3A_40, %mul3A_63 : i32
      %add3A_65 = arith.constant 1 : i32
      %add3A_66 = arith.addi %mul3A_64, %add3A_65 : i32
      %dma_wait3A_67 = arith.constant 0 : i32
      %dma_wait3A_68 = tpu.memref_slice %arg3[%dma_wait3A_67] : memref<320000xi32, #tpu.memory_space<hbm>> -> memref<2000xi32, #tpu.memory_space<hbm>>
      %dma_wait3A_69 = arith.constant 0 : i32
      %dma_wait3A_70 = tpu.memref_slice %arg3[%dma_wait3A_69] : memref<320000xi32, #tpu.memory_space<hbm>> -> memref<2000xi32, #tpu.memory_space<hbm>>
      tpu.wait_dma2 semaphore(%arg16 : memref<!tpu.dma_semaphore, #tpu.memory_space<semaphore_mem>>) src(%dma_wait3A_70 : memref<2000xi32, #tpu.memory_space<hbm>>) dst(%arg10 : memref<2000xi32, #tpu.memory_space<vmem>>)
      %dma_wait3A_71 = arith.constant 0 : i32
      %dma_wait3A_72 = tpu.memref_slice %arg4[%dma_wait3A_71] : memref<320000xi32, #tpu.memory_space<hbm>> -> memref<2000xi32, #tpu.memory_space<hbm>>
      %dma_wait3A_73 = arith.constant 0 : i32
      %dma_wait3A_74 = tpu.memref_slice %arg4[%dma_wait3A_73] : memref<320000xi32, #tpu.memory_space<hbm>> -> memref<2000xi32, #tpu.memory_space<hbm>>
      tpu.wait_dma2 semaphore(%arg16 : memref<!tpu.dma_semaphore, #tpu.memory_space<semaphore_mem>>) src(%dma_wait3A_74 : memref<2000xi32, #tpu.memory_space<hbm>>) dst(%arg12 : memref<2000xi32, #tpu.memory_space<vmem>>)
      %dma_wait3A_75 = arith.constant 0 : i32
      %dma_wait3A_76 = tpu.memref_slice %arg5[%dma_wait3A_75] : memref<320000xf32, #tpu.memory_space<hbm>> -> memref<2000xf32, #tpu.memory_space<hbm>>
      %dma_wait3A_77 = arith.constant 0 : i32
      %dma_wait3A_78 = tpu.memref_slice %arg5[%dma_wait3A_77] : memref<320000xf32, #tpu.memory_space<hbm>> -> memref<2000xf32, #tpu.memory_space<hbm>>
      tpu.wait_dma2 semaphore(%arg16 : memref<!tpu.dma_semaphore, #tpu.memory_space<semaphore_mem>>) src(%dma_wait3A_78 : memref<2000xf32, #tpu.memory_space<hbm>>) dst(%arg14 : memref<2000xf32, #tpu.memory_space<vmem>>)
      %parallel_loop3A_79 = arith.constant 0 : i32
      %parallel_loop3A_80 = arith.constant 125 : i32
      %parallel_loop3A_81 = arith.constant 1 : i32
      scf.for %parallel_loop3A_90 = %parallel_loop3A_79 to %parallel_loop3A_80 step %parallel_loop3A_81  : i32 {
        %parallel_loop3A_91 = arith.constant 16 : i32
        %parallel_loop3A_92 = arith.muli %parallel_loop3A_90, %parallel_loop3A_91 : i32
        %parallel_loop3A_93 = arith.index_cast %parallel_loop3A_92 : i32 to index
        %parallel_loop3A_94 = tpu.vector_load %arg10[%parallel_loop3A_93] {strides = array<i32>} : memref<2000xi32, #tpu.memory_space<vmem>>, vector<16xi32>,
        %parallel_loop3A_95 = arith.index_cast %parallel_loop3A_92 : i32 to index
        %parallel_loop3A_96 = tpu.vector_load %arg12[%parallel_loop3A_95] {strides = array<i32>} : memref<2000xi32, #tpu.memory_space<vmem>>, vector<16xi32>,
        %parallel_loop3A_97 = arith.index_cast %parallel_loop3A_92 : i32 to index
        %parallel_loop3A_98 = tpu.vector_load %arg14[%parallel_loop3A_97] {strides = array<i32>} : memref<2000xf32, #tpu.memory_space<vmem>>, vector<16xf32>,
        %parallel_loop3A_99 = arith.constant 0 : i32
        %parallel_loop3A_100 = vector.broadcast %parallel_loop3A_99 : i32 to vector<16xi32>
        %parallel_loop3A_101 = arith.addi %parallel_loop3A_94, %parallel_loop3A_100 : vector<16xi32>
        %parallel_loop3A_102 = tpu.vector_load_idx %arg7[%parallel_loop3A_101] : memref<40000xf32, #tpu.memory_space<vmem>>[vector<16xi32>], vector<16xf32>,
        %parallel_loop3A_103 = arith.constant 0 : i32
        %parallel_loop3A_104 = vector.broadcast %parallel_loop3A_103 : i32 to vector<16xi32>
        %parallel_loop3A_105 = arith.addi %parallel_loop3A_96, %parallel_loop3A_104 : vector<16xi32>
        %parallel_loop3A_106 = arith.mulf %parallel_loop3A_102, %parallel_loop3A_98 : vector<16xf32>
        tpu.vector_store_idx %arg8[%parallel_loop3A_105], %parallel_loop3A_106 {add = true} : memref<40960xf32, #tpu.memory_space<vmem>>[vector<16xi32>], vector<16xf32>,
        %parallel_loop3A_107 = arith.constant 10000 : i32
        %parallel_loop3A_108 = vector.broadcast %parallel_loop3A_107 : i32 to vector<16xi32>
        %parallel_loop3A_109 = arith.addi %parallel_loop3A_94, %parallel_loop3A_108 : vector<16xi32>
        %parallel_loop3A_110 = tpu.vector_load_idx %arg7[%parallel_loop3A_109] : memref<40000xf32, #tpu.memory_space<vmem>>[vector<16xi32>], vector<16xf32>,
        %parallel_loop3A_111 = arith.constant 10240 : i32
        %parallel_loop3A_112 = vector.broadcast %parallel_loop3A_111 : i32 to vector<16xi32>
        %parallel_loop3A_113 = arith.addi %parallel_loop3A_96, %parallel_loop3A_112 : vector<16xi32>
        %parallel_loop3A_114 = arith.mulf %parallel_loop3A_110, %parallel_loop3A_98 : vector<16xf32>
        tpu.vector_store_idx %arg8[%parallel_loop3A_113], %parallel_loop3A_114 {add = true} : memref<40960xf32, #tpu.memory_space<vmem>>[vector<16xi32>], vector<16xf32>,
        %parallel_loop3A_115 = arith.constant 20000 : i32
        %parallel_loop3A_116 = vector.broadcast %parallel_loop3A_115 : i32 to vector<16xi32>
        %parallel_loop3A_117 = arith.addi %parallel_loop3A_94, %parallel_loop3A_116 : vector<16xi32>
        %parallel_loop3A_118 = tpu.vector_load_idx %arg7[%parallel_loop3A_117] : memref<40000xf32, #tpu.memory_space<vmem>>[vector<16xi32>], vector<16xf32>,
        %parallel_loop3A_119 = arith.constant 20480 : i32
        %parallel_loop3A_120 = vector.broadcast %parallel_loop3A_119 : i32 to vector<16xi32>
        %parallel_loop3A_121 = arith.addi %parallel_loop3A_96, %parallel_loop3A_120 : vector<16xi32>
        %parallel_loop3A_122 = arith.mulf %parallel_loop3A_118, %parallel_loop3A_98 : vector<16xf32>
        tpu.vector_store_idx %arg8[%parallel_loop3A_121], %parallel_loop3A_122 {add = true} : memref<40960xf32, #tpu.memory_space<vmem>>[vector<16xi32>], vector<16xf32>,
        %parallel_loop3A_123 = arith.constant 30000 : i32
        %parallel_loop3A_124 = vector.broadcast %parallel_loop3A_123 : i32 to vector<16xi32>
        %parallel_loop3A_125 = arith.addi %parallel_loop3A_94, %parallel_loop3A_124 : vector<16xi32>
        %parallel_loop3A_126 = tpu.vector_load_idx %arg7[%parallel_loop3A_125] : memref<40000xf32, #tpu.memory_space<vmem>>[vector<16xi32>], vector<16xf32>,
        %parallel_loop3A_127 = arith.constant 30720 : i32
        %parallel_loop3A_128 = vector.broadcast %parallel_loop3A_127 : i32 to vector<16xi32>
        %parallel_loop3A_129 = arith.addi %parallel_loop3A_96, %parallel_loop3A_128 : vector<16xi32>
        %parallel_loop3A_130 = arith.mulf %parallel_loop3A_126, %parallel_loop3A_98 : vector<16xf32>
        tpu.vector_store_idx %arg8[%parallel_loop3A_129], %parallel_loop3A_130 {add = true} : memref<40960xf32, #tpu.memory_space<vmem>>[vector<16xi32>], vector<16xf32>,
      } {sc.loop_unroll_factor = 5 : i64, sc.parallel_access}
      %add3A_82 = arith.constant 2 : i32
      %add3A_83 = arith.addi %add3A_66, %add3A_82 : i32
      %lt3A_84 = arith.constant 160 : i32
      %lt3A_85 = arith.cmpi slt, %add3A_83, %lt3A_84 : i32
      %convert_element_type3A_86 = arith.extui %lt3A_85 : i1 to i32
      %cond3A_87 = arith.constant 0 : i32
      %cond3A_88 = arith.cmpi ne, %convert_element_type3A_86, %cond3A_87 : i32
      scf.if %cond3A_88 {
        %add3A_90 = arith.constant 2 : i32
        %add3A_91 = arith.addi %add3A_66, %add3A_90 : i32
        %mul3A_92 = arith.constant 2000 : i32
        %mul3A_93 = arith.muli %add3A_91, %mul3A_92 : i32
        %dma_start3A_94 = tpu.memref_slice %arg3[%mul3A_93] : memref<320000xi32, #tpu.memory_space<hbm>> -> memref<2000xi32, #tpu.memory_space<hbm>>
        %dma_start3A_95 = tpu.memref_slice %arg3[%mul3A_93] : memref<320000xi32, #tpu.memory_space<hbm>> -> memref<2000xi32, #tpu.memory_space<hbm>>
        tpu.enqueue_dma source(%dma_start3A_95 : memref<2000xi32, #tpu.memory_space<hbm>>) target(%arg10 : memref<2000xi32, #tpu.memory_space<vmem>>) target_semaphore(%arg16 : memref<!tpu.dma_semaphore, #tpu.memory_space<semaphore_mem>>)
        %dma_start3A_96 = tpu.memref_slice %arg4[%mul3A_93] : memref<320000xi32, #tpu.memory_space<hbm>> -> memref<2000xi32, #tpu.memory_space<hbm>>
        %dma_start3A_97 = tpu.memref_slice %arg4[%mul3A_93] : memref<320000xi32, #tpu.memory_space<hbm>> -> memref<2000xi32, #tpu.memory_space<hbm>>
        tpu.enqueue_dma source(%dma_start3A_97 : memref<2000xi32, #tpu.memory_space<hbm>>) target(%arg12 : memref<2000xi32, #tpu.memory_space<vmem>>) target_semaphore(%arg16 : memref<!tpu.dma_semaphore, #tpu.memory_space<semaphore_mem>>)
        %dma_start3A_98 = tpu.memref_slice %arg5[%mul3A_93] : memref<320000xf32, #tpu.memory_space<hbm>> -> memref<2000xf32, #tpu.memory_space<hbm>>
        %dma_start3A_99 = tpu.memref_slice %arg5[%mul3A_93] : memref<320000xf32, #tpu.memory_space<hbm>> -> memref<2000xf32, #tpu.memory_space<hbm>>
        tpu.enqueue_dma source(%dma_start3A_99 : memref<2000xf32, #tpu.memory_space<hbm>>) target(%arg14 : memref<2000xf32, #tpu.memory_space<vmem>>) target_semaphore(%arg16 : memref<!tpu.dma_semaphore, #tpu.memory_space<semaphore_mem>>)
      } else {
      }
      %scan3A_89 = arith.constant 0 : i32
      scf.yield %scan3A_89 : i32
    }
    %scan3A_39 = arith.constant 80 : i32
    "tpu.region"() ({
      %run_scoped3A = tpu.sem_alloc : memref<!tpu.dma_semaphore, #tpu.memory_space<semaphore_mem>>
      %dma_start3A_40 = arith.constant 0 : i32
      %dma_start3A_41 = tpu.memref_slice %arg6[%add3A, %dma_start3A_40] : memref<32x40960xf32, #tpu.memory_space<hbm>> -> memref<1x40960xf32, #tpu.memory_space<hbm>>
      %dma_start3A_42 = tpu.memref_squeeze %dma_start3A_41 : memref<1x40960xf32, #tpu.memory_space<hbm>> -> memref<40960xf32, #tpu.memory_space<hbm>>
      %dma_start3A_43 = arith.constant 0 : i32
      %dma_start3A_44 = tpu.memref_slice %arg6[%add3A, %dma_start3A_43] : memref<32x40960xf32, #tpu.memory_space<hbm>> -> memref<1x40960xf32, #tpu.memory_space<hbm>>
      %dma_start3A_45 = tpu.memref_squeeze %dma_start3A_44 : memref<1x40960xf32, #tpu.memory_space<hbm>> -> memref<40960xf32, #tpu.memory_space<hbm>>
      tpu.enqueue_dma source(%arg8 : memref<40960xf32, #tpu.memory_space<vmem>>) target(%dma_start3A_45 : memref<40960xf32, #tpu.memory_space<hbm>>) target_semaphore(%run_scoped3A : memref<!tpu.dma_semaphore, #tpu.memory_space<semaphore_mem>>)
      %dma_wait3A = arith.constant 0 : i32
      %dma_wait3A_46 = tpu.memref_slice %arg6[%add3A, %dma_wait3A] : memref<32x40960xf32, #tpu.memory_space<hbm>> -> memref<1x40960xf32, #tpu.memory_space<hbm>>
      %dma_wait3A_47 = tpu.memref_squeeze %dma_wait3A_46 : memref<1x40960xf32, #tpu.memory_space<hbm>> -> memref<40960xf32, #tpu.memory_space<hbm>>
      %dma_wait3A_48 = arith.constant 0 : i32
      %dma_wait3A_49 = tpu.memref_slice %arg6[%add3A, %dma_wait3A_48] : memref<32x40960xf32, #tpu.memory_space<hbm>> -> memref<1x40960xf32, #tpu.memory_space<hbm>>
      %dma_wait3A_50 = tpu.memref_squeeze %dma_wait3A_49 : memref<1x40960xf32, #tpu.memory_space<hbm>> -> memref<40960xf32, #tpu.memory_space<hbm>>
      tpu.wait_dma2 semaphore(%run_scoped3A : memref<!tpu.dma_semaphore, #tpu.memory_space<semaphore_mem>>) src(%arg8 : memref<40960xf32, #tpu.memory_space<vmem>>) dst(%dma_wait3A_50 : memref<40960xf32, #tpu.memory_space<hbm>>)
      tpu.yield
    }) : () -> ()
    return
  }
}

#map = affine_map<(d0, d1) -> (0)>
#map1 = affine_map<(d0, d1) -> (0, 0)>
module attributes {stable_mosaic.version = 14 : i64} {
  func.func @_wden_kernel(%arg0: i32, %arg1: i32, %arg2: memref<10000xf32, #tpu.memory_space<hbm>>, %arg3: memref<10000xf32, #tpu.memory_space<hbm>>, %arg4: memref<320000xi32, #tpu.memory_space<hbm>>, %arg5: memref<320000xi32, #tpu.memory_space<hbm>>, %arg6: memref<320000xf32, #tpu.memory_space<hbm>>, %arg7: memref<32x10240xf32, #tpu.memory_space<hbm>>, %arg8: memref<10000xi32, #tpu.memory_space<vmem>>, %arg9: memref<10000xi32, #tpu.memory_space<vmem>>, %arg10: memref<10000xf32, #tpu.memory_space<vmem>>, %arg11: memref<10000xf32, #tpu.memory_space<vmem>>, %arg12: memref<10000xf32, #tpu.memory_space<vmem>>, %arg13: memref<10240xf32, #tpu.memory_space<vmem>>) attributes {dimension_semantics = [#tpu.dimension_semantics<core_parallel>, #tpu.dimension_semantics<subcore_parallel>], iteration_bounds = array<i64: 2, 16>, scalar_prefetch = 0 : i64, scratch_operands = 6 : i64, tpu.core_type = #tpu.core_type<sc_vector_subcore>, window_params = [{transform_indices = #map}, {transform_indices = #map}, {transform_indices = #map}, {transform_indices = #map}, {transform_indices = #map}, {transform_indices = #map1}]} {
    %mul3A = arith.constant 2 : i32
    %mul3A_0 = arith.muli %arg1, %mul3A : i32
    %add3A = arith.addi %mul3A_0, %arg0 : i32
    %mul3A_1 = arith.constant 10000 : i32
    %mul3A_2 = arith.muli %add3A, %mul3A_1 : i32
    "tpu.region"() ({
      %run_scoped3A = tpu.sem_alloc : memref<!tpu.dma_semaphore, #tpu.memory_space<semaphore_mem>>
      %dma_start3A = tpu.memref_slice %arg4[%mul3A_2] : memref<320000xi32, #tpu.memory_space<hbm>> -> memref<10000xi32, #tpu.memory_space<hbm>>
      %dma_start3A_16 = tpu.memref_slice %arg4[%mul3A_2] : memref<320000xi32, #tpu.memory_space<hbm>> -> memref<10000xi32, #tpu.memory_space<hbm>>
      tpu.enqueue_dma source(%dma_start3A_16 : memref<10000xi32, #tpu.memory_space<hbm>>) target(%arg8 : memref<10000xi32, #tpu.memory_space<vmem>>) target_semaphore(%run_scoped3A : memref<!tpu.dma_semaphore, #tpu.memory_space<semaphore_mem>>)
      %dma_wait3A = tpu.memref_slice %arg4[%mul3A_2] : memref<320000xi32, #tpu.memory_space<hbm>> -> memref<10000xi32, #tpu.memory_space<hbm>>
      %dma_wait3A_17 = tpu.memref_slice %arg4[%mul3A_2] : memref<320000xi32, #tpu.memory_space<hbm>> -> memref<10000xi32, #tpu.memory_space<hbm>>
      tpu.wait_dma2 semaphore(%run_scoped3A : memref<!tpu.dma_semaphore, #tpu.memory_space<semaphore_mem>>) src(%dma_wait3A_17 : memref<10000xi32, #tpu.memory_space<hbm>>) dst(%arg8 : memref<10000xi32, #tpu.memory_space<vmem>>)
      tpu.yield
    }) : () -> ()
    %mul3A_3 = arith.constant 10000 : i32
    %mul3A_4 = arith.muli %add3A, %mul3A_3 : i32
    "tpu.region"() ({
      %run_scoped3A = tpu.sem_alloc : memref<!tpu.dma_semaphore, #tpu.memory_space<semaphore_mem>>
      %dma_start3A = tpu.memref_slice %arg5[%mul3A_4] : memref<320000xi32, #tpu.memory_space<hbm>> -> memref<10000xi32, #tpu.memory_space<hbm>>
      %dma_start3A_16 = tpu.memref_slice %arg5[%mul3A_4] : memref<320000xi32, #tpu.memory_space<hbm>> -> memref<10000xi32, #tpu.memory_space<hbm>>
      tpu.enqueue_dma source(%dma_start3A_16 : memref<10000xi32, #tpu.memory_space<hbm>>) target(%arg9 : memref<10000xi32, #tpu.memory_space<vmem>>) target_semaphore(%run_scoped3A : memref<!tpu.dma_semaphore, #tpu.memory_space<semaphore_mem>>)
      %dma_wait3A = tpu.memref_slice %arg5[%mul3A_4] : memref<320000xi32, #tpu.memory_space<hbm>> -> memref<10000xi32, #tpu.memory_space<hbm>>
      %dma_wait3A_17 = tpu.memref_slice %arg5[%mul3A_4] : memref<320000xi32, #tpu.memory_space<hbm>> -> memref<10000xi32, #tpu.memory_space<hbm>>
      tpu.wait_dma2 semaphore(%run_scoped3A : memref<!tpu.dma_semaphore, #tpu.memory_space<semaphore_mem>>) src(%dma_wait3A_17 : memref<10000xi32, #tpu.memory_space<hbm>>) dst(%arg9 : memref<10000xi32, #tpu.memory_space<vmem>>)
      tpu.yield
    }) : () -> ()
    "tpu.region"() ({
      %run_scoped3A = tpu.sem_alloc : memref<!tpu.dma_semaphore, #tpu.memory_space<semaphore_mem>>
      tpu.enqueue_dma source(%arg2 : memref<10000xf32, #tpu.memory_space<hbm>>) target(%arg10 : memref<10000xf32, #tpu.memory_space<vmem>>) target_semaphore(%run_scoped3A : memref<!tpu.dma_semaphore, #tpu.memory_space<semaphore_mem>>)
      tpu.wait_dma2 semaphore(%run_scoped3A : memref<!tpu.dma_semaphore, #tpu.memory_space<semaphore_mem>>) src(%arg2 : memref<10000xf32, #tpu.memory_space<hbm>>) dst(%arg10 : memref<10000xf32, #tpu.memory_space<vmem>>)
      tpu.yield
    }) : () -> ()
    "tpu.region"() ({
      %run_scoped3A = tpu.sem_alloc : memref<!tpu.dma_semaphore, #tpu.memory_space<semaphore_mem>>
      tpu.enqueue_dma source(%arg3 : memref<10000xf32, #tpu.memory_space<hbm>>) target(%arg11 : memref<10000xf32, #tpu.memory_space<vmem>>) target_semaphore(%run_scoped3A : memref<!tpu.dma_semaphore, #tpu.memory_space<semaphore_mem>>)
      tpu.wait_dma2 semaphore(%run_scoped3A : memref<!tpu.dma_semaphore, #tpu.memory_space<semaphore_mem>>) src(%arg3 : memref<10000xf32, #tpu.memory_space<hbm>>) dst(%arg11 : memref<10000xf32, #tpu.memory_space<vmem>>)
      tpu.yield
    }) : () -> ()
    %broadcast_in_dim3A = arith.constant 0.000000e+00 : f32
    %broadcast_in_dim3A_5 = vector.broadcast %broadcast_in_dim3A : f32 to vector<16xf32>
    %scan3A = arith.constant 0 : i32
    %scan3A_6 = arith.constant 0 : i32
    %scan3A_7 = arith.constant 640 : i32
    %scan3A_8 = arith.addi %scan3A_6, %scan3A_7 : i32
    %scan3A_9 = arith.constant 1 : i32
    %scan3A_10 = scf.for %scan3A_16 = %scan3A_6 to %scan3A_8 step %scan3A_9 iter_args(%scan3A_17 = %scan3A) -> (i32)  : i32 {
      %mul3A_18 = arith.constant 16 : i32
      %mul3A_19 = arith.muli %scan3A_16, %mul3A_18 : i32
      %swap3A = arith.index_cast %mul3A_19 : i32 to index
      %swap3A_20 = tpu.vector_load %arg13[%swap3A] {strides = array<i32>} : memref<10240xf32, #tpu.memory_space<vmem>>, vector<16xf32>,
      tpu.vector_store %arg13[%swap3A], %broadcast_in_dim3A_5 {strides = array<i32>} : memref<10240xf32, #tpu.memory_space<vmem>>, vector<16xf32>,
      %scan3A_21 = arith.constant 0 : i32
      scf.yield %scan3A_21 : i32
    }
    %scan3A_11 = arith.constant 640 : i32
    %parallel_loop3A = arith.constant 0 : i32
    %parallel_loop3A_12 = arith.constant 625 : i32
    %parallel_loop3A_13 = arith.constant 1 : i32
    scf.for %parallel_loop3A_16 = %parallel_loop3A to %parallel_loop3A_12 step %parallel_loop3A_13  : i32 {
      %parallel_loop3A_17 = arith.constant 16 : i32
      %parallel_loop3A_18 = arith.muli %parallel_loop3A_16, %parallel_loop3A_17 : i32
      %parallel_loop3A_19 = arith.index_cast %parallel_loop3A_18 : i32 to index
      %parallel_loop3A_20 = tpu.vector_load %arg8[%parallel_loop3A_19] {strides = array<i32>} : memref<10000xi32, #tpu.memory_space<vmem>>, vector<16xi32>,
      %parallel_loop3A_21 = arith.index_cast %parallel_loop3A_18 : i32 to index
      %parallel_loop3A_22 = tpu.vector_load %arg9[%parallel_loop3A_21] {strides = array<i32>} : memref<10000xi32, #tpu.memory_space<vmem>>, vector<16xi32>,
      %parallel_loop3A_23 = tpu.vector_load_idx %arg10[%parallel_loop3A_20] : memref<10000xf32, #tpu.memory_space<vmem>>[vector<16xi32>], vector<16xf32>,
      %parallel_loop3A_24 = tpu.vector_load_idx %arg11[%parallel_loop3A_22] : memref<10000xf32, #tpu.memory_space<vmem>>[vector<16xi32>], vector<16xf32>,
      %parallel_loop3A_25 = arith.addf %parallel_loop3A_23, %parallel_loop3A_24 : vector<16xf32>
      %parallel_loop3A_26 = arith.constant 2.000000e-01 : f32
      %parallel_loop3A_27 = vector.broadcast %parallel_loop3A_26 : f32 to vector<16xf32>
      %parallel_loop3A_28 = arith.mulf %parallel_loop3A_27, %parallel_loop3A_25 : vector<16xf32>
      %parallel_loop3A_29 = arith.maximumf %parallel_loop3A_25, %parallel_loop3A_28 : vector<16xf32>
      %parallel_loop3A_30 = math.exp %parallel_loop3A_29 : vector<16xf32>
      %parallel_loop3A_31 = arith.index_cast %parallel_loop3A_18 : i32 to index
      %parallel_loop3A_32 = tpu.vector_load %arg12[%parallel_loop3A_31] {strides = array<i32>} : memref<10000xf32, #tpu.memory_space<vmem>>, vector<16xf32>,
      tpu.vector_store %arg12[%parallel_loop3A_31], %parallel_loop3A_30 {strides = array<i32>} : memref<10000xf32, #tpu.memory_space<vmem>>, vector<16xf32>,
      tpu.vector_store_idx %arg13[%parallel_loop3A_22], %parallel_loop3A_30 {add = true} : memref<10240xf32, #tpu.memory_space<vmem>>[vector<16xi32>], vector<16xf32>,
    } {sc.loop_unroll_factor = 5 : i64, sc.parallel_access}
    %mul3A_14 = arith.constant 10000 : i32
    %mul3A_15 = arith.muli %add3A, %mul3A_14 : i32
    "tpu.region"() ({
      %run_scoped3A = tpu.sem_alloc : memref<!tpu.dma_semaphore, #tpu.memory_space<semaphore_mem>>
      %dma_start3A = tpu.memref_slice %arg6[%mul3A_15] : memref<320000xf32, #tpu.memory_space<hbm>> -> memref<10000xf32, #tpu.memory_space<hbm>>
      %dma_start3A_16 = tpu.memref_slice %arg6[%mul3A_15] : memref<320000xf32, #tpu.memory_space<hbm>> -> memref<10000xf32, #tpu.memory_space<hbm>>
      tpu.enqueue_dma source(%arg12 : memref<10000xf32, #tpu.memory_space<vmem>>) target(%dma_start3A_16 : memref<10000xf32, #tpu.memory_space<hbm>>) target_semaphore(%run_scoped3A : memref<!tpu.dma_semaphore, #tpu.memory_space<semaphore_mem>>)
      %dma_wait3A = tpu.memref_slice %arg6[%mul3A_15] : memref<320000xf32, #tpu.memory_space<hbm>> -> memref<10000xf32, #tpu.memory_space<hbm>>
      %dma_wait3A_17 = tpu.memref_slice %arg6[%mul3A_15] : memref<320000xf32, #tpu.memory_space<hbm>> -> memref<10000xf32, #tpu.memory_space<hbm>>
      tpu.wait_dma2 semaphore(%run_scoped3A : memref<!tpu.dma_semaphore, #tpu.memory_space<semaphore_mem>>) src(%arg12 : memref<10000xf32, #tpu.memory_space<vmem>>) dst(%dma_wait3A_17 : memref<10000xf32, #tpu.memory_space<hbm>>)
      tpu.yield
    }) : () -> ()
    "tpu.region"() ({
      %run_scoped3A = tpu.sem_alloc : memref<!tpu.dma_semaphore, #tpu.memory_space<semaphore_mem>>
      %dma_start3A = arith.constant 0 : i32
      %dma_start3A_16 = tpu.memref_slice %arg7[%add3A, %dma_start3A] : memref<32x10240xf32, #tpu.memory_space<hbm>> -> memref<1x10240xf32, #tpu.memory_space<hbm>>
      %dma_start3A_17 = tpu.memref_squeeze %dma_start3A_16 : memref<1x10240xf32, #tpu.memory_space<hbm>> -> memref<10240xf32, #tpu.memory_space<hbm>>
      %dma_start3A_18 = arith.constant 0 : i32
      %dma_start3A_19 = tpu.memref_slice %arg7[%add3A, %dma_start3A_18] : memref<32x10240xf32, #tpu.memory_space<hbm>> -> memref<1x10240xf32, #tpu.memory_space<hbm>>
      %dma_start3A_20 = tpu.memref_squeeze %dma_start3A_19 : memref<1x10240xf32, #tpu.memory_space<hbm>> -> memref<10240xf32, #tpu.memory_space<hbm>>
      tpu.enqueue_dma source(%arg13 : memref<10240xf32, #tpu.memory_space<vmem>>) target(%dma_start3A_20 : memref<10240xf32, #tpu.memory_space<hbm>>) target_semaphore(%run_scoped3A : memref<!tpu.dma_semaphore, #tpu.memory_space<semaphore_mem>>)
      %dma_wait3A = arith.constant 0 : i32
      %dma_wait3A_21 = tpu.memref_slice %arg7[%add3A, %dma_wait3A] : memref<32x10240xf32, #tpu.memory_space<hbm>> -> memref<1x10240xf32, #tpu.memory_space<hbm>>
      %dma_wait3A_22 = tpu.memref_squeeze %dma_wait3A_21 : memref<1x10240xf32, #tpu.memory_space<hbm>> -> memref<10240xf32, #tpu.memory_space<hbm>>
      %dma_wait3A_23 = arith.constant 0 : i32
      %dma_wait3A_24 = tpu.memref_slice %arg7[%add3A, %dma_wait3A_23] : memref<32x10240xf32, #tpu.memory_space<hbm>> -> memref<1x10240xf32, #tpu.memory_space<hbm>>
      %dma_wait3A_25 = tpu.memref_squeeze %dma_wait3A_24 : memref<1x10240xf32, #tpu.memory_space<hbm>> -> memref<10240xf32, #tpu.memory_space<hbm>>
      tpu.wait_dma2 semaphore(%run_scoped3A : memref<!tpu.dma_semaphore, #tpu.memory_space<semaphore_mem>>) src(%arg13 : memref<10240xf32, #tpu.memory_space<vmem>>) dst(%dma_wait3A_25 : memref<10240xf32, #tpu.memory_space<hbm>>)
      tpu.yield
    }) : () -> ()
    return
  }
}

module attributes {stable_mosaic.version = 14 : i64} {
  func.func @_proj_body(%arg0: i32, %arg1: memref<1000x128xf32, #tpu.memory_space<vmem>>, %arg2: memref<128x128xf32, #tpu.memory_space<vmem>>, %arg3: memref<128x2xf32, #tpu.memory_space<vmem>>, %arg4: memref<1000x128xf32, #tpu.memory_space<vmem>>, %arg5: memref<1000x2xf32, #tpu.memory_space<vmem>>) attributes {dimension_semantics = [#tpu.dimension_semantics<arbitrary>], iteration_bounds = array<i64: 10>, scalar_prefetch = 0 : i64, scratch_operands = 0 : i64, tpu.core_type = #tpu.core_type<tc>, window_params = [{transform_indices = @transform_0, window_bounds = array<i64: 1000, 128>}, {pipeline_mode = #tpu.pipeline_mode<synchronous>, transform_indices = @transform_1, window_bounds = array<i64: 128, 128>}, {pipeline_mode = #tpu.pipeline_mode<synchronous>, transform_indices = @transform_2, window_bounds = array<i64: 128, 2>}, {transform_indices = @transform_3, window_bounds = array<i64: 1000, 128>}, {transform_indices = @transform_4, window_bounds = array<i64: 1000, 2>}]} {
    %get3A = arith.constant 0 : index
    %get3A_0 = arith.constant 0 : index
    %get3A_1 = vector.load %arg1[%get3A, %get3A_0] : memref<1000x128xf32, #tpu.memory_space<vmem>>, vector<1000x128xf32>
    %get3A_2 = arith.constant 0 : index
    %get3A_3 = arith.constant 0 : index
    %get3A_4 = vector.load %arg2[%get3A_2, %get3A_3] : memref<128x128xf32, #tpu.memory_space<vmem>>, vector<128x128xf32>
    %dot_general3A = arith.constant dense<0.000000e+00> : vector<1000x128xf32>
    %dot_general3A_5 = tpu.matmul %get3A_1, %get3A_4, %dot_general3A {dimension_numbers = #tpu.dot_dimension_numbers<[1], [0], [0], [1], [0, 0, 1, 1], [], []>, precision = #tpu.contract_precision<fp32>, transpose_lhs_hint = false} : vector<1000x128xf32>, vector<128x128xf32>, vector<1000x128xf32> -> vector<1000x128xf32>
    %swap3A = arith.constant 0 : index
    %swap3A_6 = arith.constant 0 : index
    %swap3A_7 = vector.load %arg4[%swap3A, %swap3A_6] : memref<1000x128xf32, #tpu.memory_space<vmem>>, vector<1000x128xf32>
    tpu.vector_store %arg4[%swap3A, %swap3A_6], %dot_general3A_5 {strides = array<i32>} : memref<1000x128xf32, #tpu.memory_space<vmem>>, vector<1000x128xf32>,
    %get3A_8 = arith.constant 0 : index
    %get3A_9 = arith.constant 0 : index
    %get3A_10 = vector.load %arg3[%get3A_8, %get3A_9] : memref<128x2xf32, #tpu.memory_space<vmem>>, vector<128x2xf32>
    %dot_general3A_11 = arith.constant dense<0.000000e+00> : vector<1000x2xf32>
    %dot_general3A_12 = tpu.matmul %dot_general3A_5, %get3A_10, %dot_general3A_11 {dimension_numbers = #tpu.dot_dimension_numbers<[1], [0], [0], [1], [0, 0, 1, 1], [], []>, precision = #tpu.contract_precision<fp32>, transpose_lhs_hint = false} : vector<1000x128xf32>, vector<128x2xf32>, vector<1000x2xf32> -> vector<1000x2xf32>
    %swap3A_13 = arith.constant 0 : index
    %swap3A_14 = arith.constant 0 : index
    %swap3A_15 = vector.load %arg5[%swap3A_13, %swap3A_14] : memref<1000x2xf32, #tpu.memory_space<vmem>>, vector<1000x2xf32>
    tpu.vector_store %arg5[%swap3A_13, %swap3A_14], %dot_general3A_12 {strides = array<i32>} : memref<1000x2xf32, #tpu.memory_space<vmem>>, vector<1000x2xf32>,
    return
  }
  func.func @transform_0(%arg0: i32) -> (i32, i32) {
    %c0_i32 = arith.constant 0 : i32
    %c0_i32_0 = arith.constant 0 : i32
    return %arg0, %c0_i32 : i32, i32
  }
  func.func @transform_1(%arg0: i32) -> (i32, i32) {
    %c0_i32 = arith.constant 0 : i32
    %c0_i32_0 = arith.constant 0 : i32
    %c0_i32_1 = arith.constant 0 : i32
    return %c0_i32, %c0_i32_0 : i32, i32
  }
  func.func @transform_2(%arg0: i32) -> (i32, i32) {
    %c0_i32 = arith.constant 0 : i32
    %c0_i32_0 = arith.constant 0 : i32
    %c0_i32_1 = arith.constant 0 : i32
    return %c0_i32, %c0_i32_0 : i32, i32
  }
  func.func @transform_3(%arg0: i32) -> (i32, i32) {
    %c0_i32 = arith.constant 0 : i32
    %c0_i32_0 = arith.constant 0 : i32
    return %arg0, %c0_i32 : i32, i32
  }
  func.func @transform_4(%arg0: i32) -> (i32, i32) {
    %c0_i32 = arith.constant 0 : i32
    %c0_i32_0 = arith.constant 0 : i32
    return %arg0, %c0_i32 : i32, i32
  }
}

module attributes {stable_mosaic.version = 14 : i64} {
  func.func @_combine_body(%arg0: i32, %arg1: memref<128x1024xf32, #tpu.memory_space<vmem>>, %arg2: memref<32x1024xf32, #tpu.memory_space<vmem>>, %arg3: memref<128x1024xf32, #tpu.memory_space<vmem>>) attributes {dimension_semantics = [#tpu.dimension_semantics<arbitrary>], iteration_bounds = array<i64: 10>, scalar_prefetch = 0 : i64, scratch_operands = 0 : i64, tpu.core_type = #tpu.core_type<tc>, window_params = [{transform_indices = @transform_0, window_bounds = array<i64: 128, 1024>}, {transform_indices = @transform_1, window_bounds = array<i64: 32, 1024>}, {transform_indices = @transform_2, window_bounds = array<i64: 128, 1024>}]} {
    %get3A = arith.constant 0 : index
    %get3A_0 = arith.constant 0 : index
    %get3A_1 = vector.load %arg1[%get3A, %get3A_0] : memref<128x1024xf32, #tpu.memory_space<vmem>>, vector<128x1024xf32>
    %get3A_2 = arith.constant 0 : index
    %get3A_3 = arith.constant 0 : index
    %get3A_4 = vector.load %arg2[%get3A_2, %get3A_3] : memref<32x1024xf32, #tpu.memory_space<vmem>>, vector<32x1024xf32>
    %reduce_sum3A = arith.constant dense<0.000000e+00> : vector<1024xf32>
    %reduce_sum3A_5 = vector.multi_reduction <add>, %get3A_4, %reduce_sum3A [0] : vector<32x1024xf32> to vector<1024xf32>
    %eq3A = arith.constant 0.000000e+00 : f32
    %eq3A_6 = vector.broadcast %eq3A : f32 to vector<1024xf32>
    %eq3A_7 = arith.cmpf oeq, %reduce_sum3A_5, %eq3A_6 : vector<1024xf32>
    %jit3A = arith.constant 1.000000e+00 : f32
    %broadcast_in_dim3A = vector.broadcast %jit3A : f32 to vector<1024xf32>
    %select_n3A = arith.select %eq3A_7, %broadcast_in_dim3A, %reduce_sum3A_5 : vector<1024xi1>, vector<1024xf32>
    %broadcast_in_dim3A_8 = vector.shape_cast %select_n3A : vector<1024xf32> to vector<1x1024xf32>
    %div3A = vector.broadcast %broadcast_in_dim3A_8 : vector<1x1024xf32> to vector<128x1024xf32>
    %div3A_9 = arith.divf %get3A_1, %div3A : vector<128x1024xf32>
    %gt3A = arith.constant 0.000000e+00 : f32
    %gt3A_10 = vector.broadcast %gt3A : f32 to vector<128x1024xf32>
    %gt3A_11 = arith.cmpf ogt, %div3A_9, %gt3A_10 : vector<128x1024xf32>
    %min3A = arith.constant 0.000000e+00 : f32
    %min3A_12 = vector.broadcast %min3A : f32 to vector<128x1024xf32>
    %min3A_13 = arith.minimumf %div3A_9, %min3A_12 : vector<128x1024xf32>
    %exp3A = math.exp %min3A_13 : vector<128x1024xf32>
    %sub3A = arith.constant 1.000000e+00 : f32
    %sub3A_14 = vector.broadcast %sub3A : f32 to vector<128x1024xf32>
    %sub3A_15 = arith.subf %exp3A, %sub3A_14 : vector<128x1024xf32>
    %select_n3A_16 = arith.select %gt3A_11, %div3A_9, %sub3A_15 : vector<128x1024xi1>, vector<128x1024xf32>
    %swap3A = arith.constant 0 : index
    %swap3A_17 = arith.constant 0 : index
    %swap3A_18 = vector.load %arg3[%swap3A, %swap3A_17] : memref<128x1024xf32, #tpu.memory_space<vmem>>, vector<128x1024xf32>
    tpu.vector_store %arg3[%swap3A, %swap3A_17], %select_n3A_16 {strides = array<i32>} : memref<128x1024xf32, #tpu.memory_space<vmem>>, vector<128x1024xf32>,
    return
  }
  func.func @transform_0(%arg0: i32) -> (i32, i32) {
    %c0_i32 = arith.constant 0 : i32
    %c0_i32_0 = arith.constant 0 : i32
    return %c0_i32, %arg0 : i32, i32
  }
  func.func @transform_1(%arg0: i32) -> (i32, i32) {
    %c0_i32 = arith.constant 0 : i32
    %c0_i32_0 = arith.constant 0 : i32
    return %c0_i32, %arg0 : i32, i32
  }
  func.func @transform_2(%arg0: i32) -> (i32, i32) {
    %c0_i32 = arith.constant 0 : i32
    %c0_i32_0 = arith.constant 0 : i32
    return %c0_i32, %arg0 : i32, i32
  }
}

</mosaic_0001>

<sc_bundles>
// kernel: kernel.6.cloned.1.call-start
scs
__scs_entry_jumppad:
0x0: {  	(pc) =	sbr.rel $0x88, $3  }
0x1: {  	(tag) =	ssettag $0x0;
	lr =	simm.s32 $0x1  }
0x2: {  	[smem:$0x3F9C] =	sst lr;
	_ =	strace $0xD0000000  }
0x3: {  	_ = 	snop  }
0x4: {  	_ = 	snop  }
0x5: {  	_ = 	snop  }
0x6: {  	_ = 	snop  }
0x7: {  	_ = 	snop  }
__scs_overlays_trampoline_lowered:
0x8: {  	[smem:$0x3FAB] =	sst s0  }
0x9: {  	[smem:$0x3FAC] =	sst s1  }
0xa: {  	[smem:$0x3FAD] =	sst s2  }
0xb: {  	[smem:$0x3FAE] =	sst s3  }
0xc: {  	[smem:$0x3FAF] =	sst s4  }
0xd: {  	[smem:$0x3FB0] =	sst s5  }
0xe: {  	[smem:$0x3FB1] =	sst s6  }
0xf: {  	[smem:$0x3FB2] =	sst s7  }
0x10: {  	[smem:$0x3FB3] =	sst s8  }
0x11: {  	[smem:$0x3FB4] =	sst s9;
	s0 =	simm.s32 @!p0 $0x0  }
0x12: {  	s1 =	sld [smem:$0x3F9A];
	s0 =	simm.s32 @p0 $0x1  }
0x13: {  	[smem:$0x3FB5] =	sst s0;
	s0 =	simm.s32 @!p1 $0x0  }
0x14: {  	s2 =	sld [smem:$0x3F99];
	s0 =	simm.s32 @p1 $0x1  }
0x15: {  	[smem:$0x3FB6] =	sst s0;
	s0 =	simm.s32 @!p2 $0x0  }
0x16: {  	s3 =	sld [smem:$0x3FDB];
	s0 =	simm.s32 @p2 $0x1  }
0x17: {  	s4 =	simm.s32 $0x1BF5;
	[smem:$0x3FB8] =	sst s0  }
0x18: {  	s0 =	sld [smem:$0x3F9B];
	_ =	swait.ge [sflag:s4], $0x0  }
0x19: {  	s7 =	sld [smem:$0x3F9C]  }
0x1a: {  	s8 =	sadd.s32 $0xFFFFE003, lr  }
0x1b: {  	s9 =	sadd.s32 $0xFFFFFEF7, lr;
	s5 =	simm.s32 $0xFFFFFFFF;
	p2 =	slt.u32 s8, $0xFFFFF086  }
0x1c: {  	p1 =	slt.u32 s9, $0xF7A;
	s5 =	simm.s32 @!p2 $0x0  }
0x1d: {  	s5 =	simm.s32 @p1 $0x1;
	p0 =	seq.s32 s7, s2  }
0x1e: {  	s7 =	smul.u32 @!p0 $0xF7A, s2;
	p2 =	seq.s32 @!p0 s5, $0x0  }
0x1f: {  	s9 =	smul.u32 $0xF7A, s1;
	s8 =	simm.s32 @!p0 $0x1BF5;
	p2 =	por !p2, p0  }
0x20: {  	[sflag:s8] =	ssyncset.s32 @!p0 $0xFFFFF086;
	s6 =	sadd.s32 @!p0 s3, s7;
	s7 =	simm.s32 @!p0 $0x108  }
0x21: {  	s3 =	sadd.s32 s3, s9;
	s6 =	sadd.s32 @!p0 $0x88, s6;
	s7 =	simm.s32 @p2 $0x1082  }
0x22: {  	[simem:s7], [sflag:s8] =	dma.local @!p0 [hbm:s6], $0xF7A  }
0x23: {  	s9 =	sor.u32 $0xD0000000, s2;
	s6 =	simm.s32 $0x108;
	_ =	swait.ge @!p0 [sflag:s8], $0x0  }
0x24: {  	s3 =	sadd.s32 $0x88, s3;
	s6 =	simm.s32 @!p1 $0x1082;
	[sflag:s4] =	ssyncset.s32 $0xFFFFF086  }
0x25: {  	[simem:s6], [sflag:s4] =	dma.local [hbm:s3], $0xF7A  }
0x26: {  	[smem:$0x3F9C] =	sst s1;
	(tag) =	ssettag s2;
	_ =	strace s9  }
0x27: {  	s1 =	sld [smem:$0x3FAC]  }
0x28: {  	s2 =	sld [smem:$0x3FAD]  }
0x29: {  	s4 =	sld [smem:$0x3FAF]  }
0x2a: {  	p0 =	seq.s32 s5, $0x0;
	s5 =	sld [smem:$0x3FB0]  }
0x2b: {  	s6 =	sld [smem:$0x3FB1]  }
0x2c: {  	s7 =	sld [smem:$0x3FB2]  }
0x2d: {  	s3 =	simm.s32 $0x108;
	s8 =	sld [smem:$0x3FB3]  }
0x2e: {  	s3 =	simm.s32 @!p0 $0x1082;
	s9 =	sld [smem:$0x3FB4]  }
0x2f: {  	lr =	sadd.s32 s0, s3;
	s0 =	sld [smem:$0x3FAB]  }
0x30: {  	s3 =	sld [smem:$0x3FAE]  }
0x31: {  	[smem:$0x3FB7] =	sst s10  }
0x32: {  	s10 =	sld [smem:$0x3FB5];
	_ =	sdelay $0x3  }
0x33: {  	p0 =	seq.s32 s10, $0x1;
	s10 =	sld [smem:$0x3FB7];
	_ =	sdelay $0x3  }
0x34: {  	[smem:$0x3FB7] =	sst s10  }
0x35: {  	s10 =	sld [smem:$0x3FB6];
	_ =	sdelay $0x3  }
0x36: {  	p1 =	seq.s32 s10, $0x1;
	s10 =	sld [smem:$0x3FB7];
	_ =	sdelay $0x3  }
0x37: {  	[smem:$0x3FB7] =	sst s10  }
0x38: {  	s10 =	sld [smem:$0x3FB8]  }
0x39: {  	_ = 	snop;
	(pc) =	sbr.ind lr, $3  }
0x3a: {  	_ = 	snop  }
0x3b: {  	_ = 	snop  }
0x3c: {  	p2 =	seq.s32 s10, $0x1;
	s10 =	sld [smem:$0x3FB7]  }
0x3d: {  	_ =	shalt  }
0x3e: {  	_ =	shalt  }
0x3f: {  	_ =	shalt  }
0x40: {  	_ =	shalt  }
0x41: {  	_ =	shalt  }
0x42: {  	_ =	shalt  }
0x43: {  	_ =	shalt  }
0x44: {  	_ =	shalt  }
0x45: {  	_ =	shalt  }
0x46: {  	_ =	shalt  }
0x47: {  	_ =	shalt  }
0x48: {  	_ =	shalt  }
0x49: {  	_ =	shalt  }
0x4a: {  	_ =	shalt  }
0x4b: {  	_ =	shalt  }
0x4c: {  	_ =	shalt  }
0x4d: {  	_ =	shalt  }
0x4e: {  	_ =	shalt  }
0x4f: {  	_ =	shalt  }
0x50: {  	_ =	shalt  }
0x51: {  	_ =	shalt  }
0x52: {  	_ =	shalt  }
0x53: {  	_ =	shalt  }
0x54: {  	_ =	shalt  }
0x55: {  	_ =	shalt  }
0x56: {  	_ =	shalt  }
0x57: {  	_ =	shalt  }
0x58: {  	_ =	shalt  }
0x59: {  	_ =	shalt  }
0x5a: {  	_ =	shalt  }
0x5b: {  	_ =	shalt  }
0x5c: {  	_ =	shalt  }
0x5d: {  	_ =	shalt  }
0x5e: {  	_ =	shalt  }
0x5f: {  	_ =	shalt  }
0x60: {  	_ =	shalt  }
0x61: {  	_ =	shalt  }
0x62: {  	_ =	shalt  }
0x63: {  	_ =	shalt  }
0x64: {  	_ =	shalt  }
0x65: {  	_ =	shalt  }
0x66: {  	_ =	shalt  }
0x67: {  	_ =	shalt  }
0x68: {  	_ =	shalt  }
0x69: {  	_ =	shalt  }
0x6a: {  	_ =	shalt  }
0x6b: {  	_ =	shalt  }
0x6c: {  	_ =	shalt  }
0x6d: {  	_ =	shalt  }
0x6e: {  	_ =	shalt  }
0x6f: {  	_ =	shalt  }
0x70: {  	_ =	shalt  }
0x71: {  	_ =	shalt  }
0x72: {  	_ =	shalt  }
0x73: {  	_ =	shalt  }
0x74: {  	_ =	shalt  }
0x75: {  	_ =	shalt  }
0x76: {  	_ =	shalt  }
0x77: {  	_ =	shalt  }
0x78: {  	_ =	shalt  }
0x79: {  	_ =	shalt  }
0x7a: {  	_ =	shalt  }
0x7b: {  	_ =	shalt  }
0x7c: {  	_ =	shalt  }
0x7d: {  	_ =	shalt  }
0x7e: {  	_ =	shalt  }
0x7f: {  	_ =	shalt  }
0x80: {  	_ =	shalt  }
0x81: {  	_ =	shalt  }
0x82: {  	_ =	shalt  }
0x83: {  	_ =	shalt  }
0x84: {  	_ =	shalt  }
0x85: {  	_ =	shalt  }
0x86: {  	_ =	shalt  }
0x87: {  	_ =	shalt  }
.Lfunc_end0:
.L_simem_size_0:
called_computation_lowered:
.L_overlay_start_0:
0x88: {  	s2 =	sld [smem:$0x3FD9]  }
0x89: {  	s3 =	sld [smem:$0x3FFE];
	_ =	sdelay $0x1  }
0x8a: {  	s1 =	srdreg.scid  }
0x8b: {  	s0 =	sand.u32 $0x1, s1  }
0x8c: {  	s17 =	sshll.u32 s0, $0xA;
	s2 =	sadd.s32 s3, s2  }
0x8d: {  	s2 =	sadd.s32 s2, s17  }
0x8e: {  	[smem:$0x3FC3] =	sst s2  }
0x8f: {  	_ = 	snop  }
0x90: {  	s2 =	sld [smem:$0x3FC8]  }
0x91: {  	s18 =	sld [smem:$0x3FC7];
	(tm) =	ssettm $0x1  }
0x92: {  	s4 =	sld [smem:$0x3FFB];
	_ =	sdelay $0x3  }
0x93: {  	_ =	strace s4  }
0x94: {  	s4 =	sld [smem:$0x3FFC];
	_ =	sdelay $0x3  }
0x95: {  	_ =	strace s4  }
0x96: {  	s4 =	sld [smem:$0x3FFD];
	_ =	sdelay $0x3  }
0x97: {  	_ =	strace s4  }
0x98: {  	_ =	strace $0x8FFFFFFF  }
0x99: {  	s19 =	sld [smem:$0x3FDB];
	_ =	sdelay $0x1  }
0x9a: {  	s5 =	simm.s32 $_scs_section_size  }
0x9b: {  	s6 =	simm.s32 $_size__tile_overlayer_lowered;
	s7 =	simm.s32 $_tile_overlayer_lowered  }
0x9c: {  	s22 =	simm.s32 $0x1BFF;
	s21 =	sshll.u32 s7, $0x1;
	s4 =	sadd.s32 s5, s19  }
0x9d: {  	s8 =	simm.s32 $0x0;
	s20 =	sshll.u32 s6, $0x1;
	s6 =	sadd.s32 s21, s4  }
0x9e: {  	[timem:s8], [sflag:s22] =	dma.local [hbm:s6], s20  }
0x9f: {  	_ =	swait.ge [sflag:s22], s20  }
0xa0: {  	s5 =	ssub.s32 $0x0, s20;
	[sflag:s22] =	ssyncset.done $0x0  }
0xa1: {  	[sflag:s22] =	ssyncadd.s32 s5;
	_ =	sdelay $0x1  }
0xa2: {  	s23 =	simm.s32 $0x1B8B  }
0xa3: {  	_ =	swait.ge [sflag:s23], $0x1  }
0xa4: {  	[sflag:s23] =	ssyncset.done $0x0  }
0xa5: {  	s25 =	simm.s32 $0x1B8E;
	s24 =	sld [smem:$0x3FFE];
	[sflag:s23] =	ssyncadd.s32 $0xFFFFFFFF  }
0xa6: {  	s26 =	simm.s32 $execute0_lowered;
	[smem:$0x3FD2] =	sst s25  }
0xa7: {  	s6 =	sshll.u32 s26, $0x1;
	_ =	strace $0x80000046;
	[dreg:$0x1] =	wrdreg $0xFFFFFFFF  }
0xa8: {  	s28 =	simm.s32 $_size_execute0_lowered;
	s4 =	sadd.s32 s4, s6;
	[dreg:$0x0] =	wrdreg $0x0  }
0xa9: {  	s6 =	sshll.u32 s28, $0x1;
	[dreg:$0x2] =	wrdreg s4  }
0xaa: {  	[dreg:$0x3] =	wrdreg s6  }
0xab: {  	[dreg:$0x4] =	wrdreg $0xC0  }
0xac: {  	_ =	task [dreg:s8], $0x5FFFF  }
0xad: {  	[dreg:$0x1] =	wrdreg $0xFFFFFFFF  }
0xae: {  	[dreg:$0x0] =	wrdreg $0x60  }
0xaf: {  	[dreg:$0x2] =	wrdreg s24  }
0xb0: {  	[dreg:$0x3] =	wrdreg s2  }
0xb1: {  	[dreg:$0x4] =	wrdreg s18  }
0xb2: {  	[dreg:$0x5] =	wrdreg $0x9  }
0xb3: {  	_ =	task.clear_ibuf [dreg:s8], $0x6FFFF;
	_ =	strace $0x90000046  }
0xb4: {  	s29 =	simm.s32 $0x9;
	_ =	strace $0x80000048  }
0xb5: {  	_ =	swait.ge [sflag:s29], $0x1  }
0xb6: {  	[sflag:s29] =	ssyncadd.s32 $0xFFFFFFFF  }
0xb7: {  	_ =	strace $0x90000048  }
0xb8: {  	_ =	sfence  }
0xb9: {  	s30 =	sld [smem:$0x0];
	_ =	sdelay $0x2  }
0xba: {  	s31 =	sshll.u32 s1, $0xD;
	s1 =	sshrl.u32 s1, $0x2  }
0xbb: {  	s3 =	sand.u32 $0x4000, s31;
	s1 =	sadd.s32 s1, s30  }
0xbc: {  	s0 =	sor.u32 s3, s0;
	s1 =	sshll.u32 s1, $0x11  }
0xbd: {  	s0 =	sor.u32 s1, s0  }
0xbe: {  	s0 =	sadd.s32 $0x8F2B, s0  }
0xbf: {  	[sflag:s0] =	ssyncadd.remote.s32 $0x1  }
0xc0: {  	_ =	sfence.sel $0xFFFF  }
0xc1: {  	[dreg:$0x0] =	wrdreg $0xFFFFFFFF;
	(pc) =	sbr.abs _section_cstart, $3  }
0xc2: {  	[dreg:$0x1] =	wrdreg $0xFFFFFFFF  }
0xc3: {  	_ =	task.clear_ibuf [dreg:s8], $0x2FFFF;
	_ =	strace $0x9FFFFFFF  }
0xc4: {  	(tm) =	ssettm $0x7FFFFFFF  }
0xc5: {  	_ =	shalt  }
tec
execute0_lowered:
.L_overlay_start_1:
0x0: {  	(tag) =	ssettag $0x1  }
0x1: {  	s5 =	rddreg [dreg:$0x0]  }
0x2: {  	s6 =	rddreg [dreg:$0x1]  }
0x3: {  	s7 =	rddreg [dreg:$0x2];
	s2 =	srdreg.scid  }
0x4: {  	s1 =	stileid.u32;
	s0 =	rddreg [dreg:$0x3];
	s13 =	simm.s32 $0x7680  }
0x5: {  	s14 =	simm.s32 $0xC580;
	s15 =	simm.s32 $0x9E00;
	s16 =	simm.s32 $0x80  }
0x6: {  	s17 =	simm.s32 $0x400;
	s18 =	simm.s32 $0x0;
	s8 =	sand.u32 $0x1, s2  }
0x7: {  	s3 =	sshll.u32 s1, $0x1;
	s2 =	simm.s32 $0x0;
	s28 =	sshrl.u32 s1, $0x2  }
0x8: {  	s4 =	sor.u32 s8, s3;
	[smem:$0x7FF] =	sst s2;
	s9 =	smul.u32 $0x14000, s28  }
0x9: {  	s3 =	sadd.s32 $0x1200, s5;
	s8 =	ssub.s32 $0x2, s8;
	s29 =	sshll.u32 s4, $0x7  }
0xa: {  	_ =	strace $0x80000047;
	s11 =	smul.u32 $0x4E2, s4;
	s10 =	sand.u32 $0x380, s29  }
0xb: {  	s4 =	sadd.s32 $0xC00, s5;
	s31 =	sshrl.u32 s8, $0x1;
	s9 =	sor.u32 s9, s10  }
0xc: {  	s12 =	ssub.s32 s8, s31;
	s30 =	sadd.s32 s11, s5;
	s9 =	sshrl.u32 s9, $0x3  }
0xd: {  	s10 =	simm.s32 $0x1;
	s9 =	sadd.s32 s9, s5;
	s5 =	sadd.s32 s6, s11  }
0xe: {  	s6 =	sadd.s32 s7, s11;
	s7 =	sadd.s32 $0x1800, s30;
	s11 =	simm.s32 $0x2780  }
0xf: {  	v0 =	vimm.f32 $0.0e+00;
	s8 =	sadd.s32 $0xB600, s9;
	s9 =	smax.u32 s12, $0x1;
	s12 =	simm.s32 $0x4F00  }
.LBB2_1:
0x10: {  	[tilespmem:s2], [sflag:$0x1] =	stream.linear.gather [hbm4b:s5+s2], $0x2710, $0x38;
	[tilespmem:$0xED80] =	vst v63  }
0x11: {  	_ =	swait.ge [sflag:s10], $0x2710  }
0x12: {  	[sflag:s10] =	ssyncset.done $0x0  }
0x13: {  	[sflag:s10] =	ssyncadd.s32 $0xFFFFD8F0  }
0x14: {  	[tilespmem:s11], [sflag:$0x1] =	stream.linear.gather [hbm4b:s6+s2], $0x2710, $0x38;
	[tilespmem:$0xED80] =	vst v63  }
0x15: {  	_ =	swait.ge [sflag:s10], $0x2710  }
0x16: {  	[sflag:s10] =	ssyncset.done $0x0  }
0x17: {  	[sflag:s10] =	ssyncadd.s32 $0xFFFFD8F0  }
0x18: {  	[tilespmem:s12], [sflag:$0x1] =	stream.linear.gather [hbm4b:s3+s2], $0x2780, $0x38;
	[tilespmem:$0xED80] =	vst v63  }
0x19: {  	_ =	swait.ge [sflag:s10], $0x2780  }
0x1a: {  	[sflag:s10] =	ssyncset.done $0x0  }
0x1b: {  	[sflag:s10] =	ssyncadd.s32 $0xFFFFD880  }
0x1c: {  	[tilespmem:s13], [sflag:$0x1] =	stream.linear.gather [hbm4b:s4+s2], $0x2780, $0x38;
	[tilespmem:$0xED80] =	vst v63  }
0x1d: {  	_ =	swait.ge [sflag:s10], $0x2780  }
0x1e: {  	[sflag:s10] =	ssyncset.done $0x0  }
0x1f: {  	s19 =	simm.s32 $0x0;
	[sflag:s10] =	ssyncadd.s32 $0xFFFFD880  }
.LBB2_2:
0x20: {  	p0 =	sne.s32 s19, $0x9FC0  }
.Ltmp0:
0x21: {  	_ = 	snop;
	(pc) =	sbr.rel @p0 .LBB2_2-.Ltmp0, $3  }
0x22: {  	_ =	sdelay $0x1  }
0x23: {  	s20 =	sshra.s32 s19, $0x2  }
0x24: {  	s19 =	sadd.s32 $0x40, s19;
	[tilespmem:s20+$0xC580] =	vst v0  }
0x25: {  	s19 =	simm.s32 $0x20  }
0x26: {  	s20 =	simm.s32 $0x27A0;
	v1 =	vld [tilespmem:s19+$0x20]  }
0x27: {  	v5 =	vld [tilespmem:s20+$0x20]  }
0x28: {  	v2 =	vld [tilespmem:s19+$0xFFFFFFF0]  }
0x29: {  	v10 =	vld [tilespmem:s20+$0xFFFFFFE0]  }
0x2a: {  	v11 =	vld [tilespmem:s20+$0xFFFFFFF0]  }
0x2b: {  	v3 =	vld [tilespmem:s19+$0x0]  }
0x2c: {  	v12 =	vld [tilespmem:s20+$0x0]  }
0x2d: {  	v6 =	vld [tilespmem:s19+$0x10]  }
0x2e: {  	v13 =	vld [tilespmem:s20+$0x10]  }
0x2f: {  	v7 =	vld [tilespmem:s19+$0xFFFFFFE0]  }
0x30: {  	v1 =	vld.idx.msk [tilespmem:v1+s12+$0x0], $0xffff  }
0x31: {  	s21 =	simm.s32 $0x70;
	v4 =	vld.idx.msk [tilespmem:v5+s13+$0x0], $0xffff  }
0x32: {  	v15 =	vld [tilespmem:s21+$0x20]  }
0x33: {  	v17 =	vld [tilespmem:s21+$0x0]  }
0x34: {  	v8 =	vld.idx.msk [tilespmem:v10+s13+$0x0], $0xffff  }
0x35: {  	v2 =	vld.idx.msk [tilespmem:v2+s12+$0x0], $0xffff  }
0x36: {  	v3 =	vld.idx.msk [tilespmem:v3+s12+$0x0], $0xffff;
	v1 =	vadd.f32 v4, v1  }
0x37: {  	v14 =	vld.idx.msk [tilespmem:v12+s13+$0x0], $0xffff  }
0x38: {  	v4 =	vld.idx.msk [tilespmem:v11+s13+$0x0], $0xffff;
	v9 =	vmul.f32 $2.000000030e-01, v1  }
0x39: {  	v6 =	vld.idx.msk [tilespmem:v6+s12+$0x0], $0xffff  }
0x3a: {  	v7 =	vld.idx.msk [tilespmem:v7+s12+$0x0], $0xffff;
	v1 =	vmax.f32 v1, v9  }
0x3b: {  	v9 =	vld.idx.msk [tilespmem:v13+s13+$0x0], $0xffff;
	v1 =	vmul.f32 $1.442695020e+00, v1;
	_ =	sdelay $0x1  }
0x3c: {  	v2 =	vadd.f32 v4, v2;
	(erf) = vpow2.f32 v1  }
0x3d: {  	v4 =	vadd.f32 v14, v3  }
0x3e: {  	v62 =	vld [tilespmem:s21+$0xFFFFFFE0];
	v16 =	vmul.f32 $2.000000030e-01, v2  }
0x3f: {  	s20 =	simm.s32 $0x27F0;
	v15 =	vld.idx.msk [tilespmem:v15+s12+$0x0], $0xffff;
	v7 =	vadd.f32 v8, v7;
	v6 =	vadd.f32 v9, v6;
	v9 =	vmul.f32 $2.000000030e-01, v4  }
0x40: {  	v3 =	vld [tilespmem:s20+$0x20];
	v8 =	vmax.f32 v2, v16  }
0x41: {  	v17 =	vld.idx.msk [tilespmem:v17+s12+$0x0], $0xffff;
	v61 =	vmul.f32 $2.000000030e-01, v6;
	v4 =	vmax.f32 v4, v9;
	v9 =	vmul.f32 $2.000000030e-01, v7  }
0x42: {  	v14 =	vld [tilespmem:s21+$0xFFFFFFF0];
	v8 =	vmul.f32 $1.442695020e+00, v8  }
0x43: {  	v1 =	vld [tilespmem:s20+$0xFFFFFFE0];
	v18 =	vmul.f32 $1.442695020e+00, v4;
	v6 =	vmax.f32 v6, v61  }
0x44: {  	v2 =	vld [tilespmem:s20+$0xFFFFFFF0];
	(erf) = vpow2.f32 v8;
	v7 =	vmax.f32 v7, v9;
	v6 =	vmul.f32 $1.442695020e+00, v6  }
0x45: {  	s19 =	simm.s32 $0x9E20;
	v4 =	vld [tilespmem:s20+$0x0];
	v7 =	vmul.f32 $1.442695020e+00, v7;
	v9 =	vpop (erf);
	(erf) = vpow2.f32 v18  }
0x46: {  	v8 =	vld [tilespmem:s21+$0x10];
	[tilespmem:s19+$0x20] =	vst v9;
	(erf) = vpow2.f32 v6  }
0x47: {  	[tilespmem:v5+s14+$0x0] =	vst.idx.add.f32.msk $0xffff, v9;
	(erf) = vpow2.f32 v7  }
0x48: {  	v7 =	vld.idx.msk [tilespmem:v3+s13+$0x0], $0xffff  }
0x49: {  	v5 =	vld [tilespmem:s20+$0x10]  }
0x4a: {  	v14 =	vld.idx.msk [tilespmem:v14+s12+$0x0], $0xffff  }
0x4b: {  	v6 =	vld.idx.msk [tilespmem:v1+s13+$0x0], $0xffff  }
0x4c: {  	v63 =	vld.idx.msk [tilespmem:v2+s13+$0x0], $0xffff  }
0x4d: {  	v21 =	vld.idx.msk [tilespmem:v4+s13+$0x0], $0xffff;
	v19 =	vpop (erf);
	v15 =	vadd.f32 v7, v15  }
0x4e: {  	[tilespmem:s19+$0xFFFFFFF0] =	vst v19;
	v7 =	vld.idx.msk [tilespmem:v8+s12+$0x0], $0xffff;
	v20 =	vpop (erf)  }
0x4f: {  	[tilespmem:v11+s14+$0x0] =	vst.idx.add.f32.msk $0xffff, v19;
	v24 =	vmul.f32 $2.000000030e-01, v15;
	v22 =	vpop (erf)  }
0x50: {  	v8 =	vld.idx.msk [tilespmem:v62+s12+$0x0], $0xffff;
	[tilespmem:s19+$0x0] =	vst v20;
	v23 =	vpop (erf)  }
0x51: {  	v9 =	vld.idx.msk [tilespmem:v5+s13+$0x0], $0xffff;
	v15 =	vmax.f32 v15, v24;
	[tilespmem:s19+$0xFFFFFFE0] =	vst v23  }
0x52: {  	[tilespmem:v10+s14+$0x0] =	vst.idx.add.f32.msk $0xffff, v23;
	v10 =	vadd.f32 v63, v14;
	v14 =	vmul.f32 $1.442695020e+00, v15  }
0x53: {  	[tilespmem:s19+$0x10] =	vst v22  }
0x54: {  	v11 =	vadd.f32 v21, v17;
	[tilespmem:v12+s14+$0x0] =	vst.idx.add.f32.msk $0xffff, v20;
	v12 =	vmul.f32 $2.000000030e-01, v10;
	(erf) = vpow2.f32 v14  }
0x55: {  	s22 =	simm.s32 $0xC0;
	s21 =	simm.s32 $0x5;
	[tilespmem:v13+s14+$0x0] =	vst.idx.add.f32.msk $0xffff, v22  }
.LBB2_4:
0x56: {  	v13 =	vld [tilespmem:s22+$0x20];
	v10 =	vmax.f32 v10, v12;
	v12 =	vmul.f32 $2.000000030e-01, v11;
	v7 =	vadd.f32 v9, v7  }
0x57: {  	v6 =	vadd.f32 v6, v8;
	s20 =	sadd.s32 $0x50, s20;
	v9 =	vld [tilespmem:s22+$0xFFFFFFF0];
	v8 =	vmul.f32 $1.442695020e+00, v10  }
0x58: {  	v10 =	vld [tilespmem:s20+$0x20];
	v11 =	vmax.f32 v11, v12;
	v12 =	vmul.f32 $2.000000030e-01, v7  }
0x59: {  	s21 =	sadd.s32 $0x5, s21;
	v15 =	vmul.f32 $2.000000030e-01, v6;
	v14 =	vld [tilespmem:s20+$0xFFFFFFE0];
	v11 =	vmul.f32 $1.442695020e+00, v11  }
0x5a: {  	p0 =	slt.u32 s21, $0x26C;
	v16 =	vld [tilespmem:s20+$0xFFFFFFF0];
	v7 =	vmax.f32 v7, v12;
	(erf) = vpow2.f32 v8  }
0x5b: {  	v6 =	vmax.f32 v6, v15;
	v8 =	vld [tilespmem:s22+$0x0];
	v12 =	vmul.f32 $1.442695020e+00, v7;
	(erf) = vpow2.f32 v11  }
0x5c: {  	v6 =	vmul.f32 $1.442695020e+00, v6;
	v15 =	vld [tilespmem:s20+$0x0]  }
0x5d: {  	s19 =	sadd.s32 $0x50, s19;
	v11 =	vld [tilespmem:s22+$0x10];
	(erf) = vpow2.f32 v12;
	v7 =	vpop (erf)  }
0x5e: {  	v12 =	vld.idx.msk [tilespmem:v13+s12+$0x0], $0xffff;
	[tilespmem:s19+$0x20] =	vst v7;
	(erf) = vpow2.f32 v6  }
0x5f: {  	[tilespmem:v3+s14+$0x0] =	vst.idx.add.f32.msk $0xffff, v7;
	v3 =	vmov v10  }
0x60: {  	v7 =	vld.idx.msk [tilespmem:v10+s13+$0x0], $0xffff  }
0x61: {  	v13 =	vld [tilespmem:s20+$0x10]  }
0x62: {  	v10 =	vld [tilespmem:s22+$0xFFFFFFE0]  }
0x63: {  	v6 =	vld.idx.msk [tilespmem:v14+s13+$0x0], $0xffff;
	v17 =	vpop (erf)  }
0x64: {  	v18 =	vld.idx.msk [tilespmem:v9+s12+$0x0], $0xffff;
	[tilespmem:s19+$0xFFFFFFF0] =	vst v17;
	v19 =	vpop (erf)  }
0x65: {  	v20 =	vld.idx.msk [tilespmem:v16+s13+$0x0], $0xffff;
	[tilespmem:s19+$0x0] =	vst v19  }
0x66: {  	v12 =	vadd.f32 v7, v12;
	v21 =	vld.idx.msk [tilespmem:v8+s12+$0x0], $0xffff;
	v22 =	vpop (erf)  }
0x67: {  	v23 =	vld.idx.msk [tilespmem:v15+s13+$0x0], $0xffff;
	[tilespmem:s19+$0x10] =	vst v22;
	v24 =	vpop (erf)  }
0x68: {  	v7 =	vld.idx.msk [tilespmem:v11+s12+$0x0], $0xffff;
	v11 =	vmul.f32 $2.000000030e-01, v12;
	[tilespmem:s19+$0xFFFFFFE0] =	vst v24  }
0x69: {  	v9 =	vld.idx.msk [tilespmem:v13+s13+$0x0], $0xffff  }
.Ltmp1:
0x6a: {  	v8 =	vld.idx.msk [tilespmem:v10+s12+$0x0], $0xffff;
	v11 =	vmax.f32 v12, v11;
	(pc) =	sbr.rel @p0 .LBB2_4-.Ltmp1, $4  }
0x6b: {  	v10 =	vadd.f32 v20, v18;
	v18 =	vmul.f32 $1.442695020e+00, v11;
	[tilespmem:v1+s14+$0x0] =	vst.idx.add.f32.msk $0xffff, v24;
	v1 =	vmov v14  }
0x6c: {  	[tilespmem:v2+s14+$0x0] =	vst.idx.add.f32.msk $0xffff, v17;
	v2 =	vmov v16  }
0x6d: {  	v12 =	vmul.f32 $2.000000030e-01, v10;
	v11 =	vadd.f32 v23, v21;
	(erf) = vpow2.f32 v18;
	[tilespmem:v4+s14+$0x0] =	vst.idx.add.f32.msk $0xffff, v19;
	v4 =	vmovc v15  }
0x6e: {  	s22 =	sadd.s32 $0x50, s22;
	[tilespmem:v5+s14+$0x0] =	vst.idx.add.f32.msk $0xffff, v22;
	v5 =	vmov v13  }
0x6f: {  	v7 =	vadd.f32 v9, v7  }
0x70: {  	v57 =	vmul.f32 $2.000000030e-01, v11;
	v6 =	vadd.f32 v6, v8;
	v58 =	vmax.f32 v10, v12  }
0x71: {  	v8 =	vmul.f32 $1.442695020e+00, v58  }
0x72: {  	v59 =	vmul.f32 $2.000000030e-01, v7;
	v9 =	vmax.f32 v11, v57;
	v60 =	vmul.f32 $2.000000030e-01, v6  }
0x73: {  	v9 =	vmul.f32 $1.442695020e+00, v9;
	(erf) = vpow2.f32 v8  }
0x74: {  	v7 =	vmax.f32 v7, v59  }
0x75: {  	v6 =	vmax.f32 v6, v60;
	v7 =	vmul.f32 $1.442695020e+00, v7;
	(erf) = vpow2.f32 v9  }
0x76: {  	v6 =	vmul.f32 $1.442695020e+00, v6  }
0x77: {  	(erf) = vpow2.f32 v7  }
0x78: {  	(erf) = vpow2.f32 v6;
	_ =	sdelay $0x1  }
0x79: {  	s19 =	sadd.s32 $0x50, s19;
	v61 =	vpop (erf)  }
0x7a: {  	[tilespmem:s19+$0x20] =	vst v61  }
0x7b: {  	[tilespmem:v3+s14+$0x0] =	vst.idx.add.f32.msk $0xffff, v61;
	v3 =	vpop (erf)  }
0x7c: {  	[tilespmem:s19+$0xFFFFFFF0] =	vst v3  }
0x7d: {  	v62 =	vpop (erf);
	[tilespmem:v2+s14+$0x0] =	vst.idx.add.f32.msk $0xffff, v3  }
0x7e: {  	[tilespmem:s19+$0x0] =	vst v62  }
0x7f: {  	v7 =	vpop (erf);
	[tilespmem:v4+s14+$0x0] =	vst.idx.add.f32.msk $0xffff, v62  }
0x80: {  	[tilespmem:s19+$0x10] =	vst v7;
	v63 =	vpop (erf)  }
0x81: {  	[tilespmem:s19+$0xFFFFFFE0] =	vst v63  }
0x82: {  	[tilespmem:v5+s14+$0x0] =	vst.idx.add.f32.msk $0xffff, v7  }
0x83: {  	[tilespmem:v1+s14+$0x0] =	vst.idx.add.f32.msk $0xffff, v63  }
0x84: {  	[hbm4b:s7+s2] =	stream.linear.scatter [tilespmem:s15], [sflag:$0x1], $0x2710, $0x38;
	[tilespmem:$0xED80] =	vst v63  }
0x85: {  	s18 =	sadd.s32 $0x1, s18;
	_ =	swait.ge [sflag:s10], $0x2710  }
0x86: {  	p0 =	sne.s32 s18, s9;
	[sflag:s10] =	ssyncset.done $0x0  }
.Ltmp2:
0x87: {  	[sflag:s10] =	ssyncadd.s32 $0xFFFFD8F0;
	(pc) =	sbr.rel @p0 .LBB2_1-.Ltmp2, $4  }
0x88: {  	[hbm4b:s8+s16] =	stream.strided.scatter [tilespmem:s14], [sflag:$0x1], $0x2800, s17, s16, $0x38;
	[tilespmem:$0xED80] =	vst v63  }
0x89: {  	_ =	swait.ge [sflag:s10], $0x2800  }
0x8a: {  	[sflag:s10] =	ssyncset.done $0x0  }
0x8b: {  	[sflag:s10] =	ssyncadd.s32 $0xFFFFD800  }
0x8c: {  	_ =	sfence.sel $0x180000  }
0x8d: {  	[bflag:$0x0] =	sbarrier.arrive $0xFFFF  }
0x8e: {  	p0 =	sne.s32 s1, $0x0;
	_ =	strace $0x90000047  }
0x8f: {  	s0 =	sadd.s32 @!p0 $0x100000, s0;
	[bflag:$0x2] =	sbarrier.arrive $0xFFFF  }
0x90: {  	[sflag:s0] =	ssyncadd.tile.s32 @!p0 $0x1;
	_ =	shalt  }
.Lfunc_end2:
_tile_overlayer_lowered:
.L_overlay_start_2:
0x91: {  	(tag) =	ssettag $0x2  }
0x92: {  	s0 =	rddreg [dreg:$0x0];
	s2 =	stileid.u32  }
0x93: {  	s1 =	rddreg [dreg:$0x1];
	p0 =	sne.s32 s2, $0x0  }
0x94: {  	s3 =	rddreg [dreg:$0x2];
	[bflag:$0x3] =	sbarrier.arrive $0xFFFF;
	s2 =	simm.s32 @!p0 $0x1C01  }
0x95: {  	[timem:s3], [sflag:s2] =	dma.local @!p0 [hbm:s0], s1  }
0x96: {  	s0 =	simm.s32 @!p0 $0x1  }
0x97: {  	_ =	swait.ge @!p0 [sflag:s0], s1  }
0x98: {  	s1 =	ssub.s32 @!p0 $0x0, s1;
	[sflag:s0] =	ssyncset.done @!p0 $0x0  }
0x99: {  	[sflag:s0] =	ssyncadd.s32 @!p0 s1  }
0x9a: {  	[bflag:$0x3] =	sbarrier.arrive $0xFFFF  }
0x9b: {  	_ =	shalt  }

// kernel: kernel.9.cloned.1.call-start
scs
__scs_entry_jumppad:
0x0: {  	(pc) =	sbr.rel $0x88, $3  }
0x1: {  	(tag) =	ssettag $0x0;
	lr =	simm.s32 $0x1  }
0x2: {  	[smem:$0x3F9C] =	sst lr;
	_ =	strace $0xD0000000  }
0x3: {  	_ = 	snop  }
0x4: {  	_ = 	snop  }
0x5: {  	_ = 	snop  }
0x6: {  	_ = 	snop  }
0x7: {  	_ = 	snop  }
__scs_overlays_trampoline_lowered:
0x8: {  	[smem:$0x3FAB] =	sst s0  }
0x9: {  	[smem:$0x3FAC] =	sst s1  }
0xa: {  	[smem:$0x3FAD] =	sst s2  }
0xb: {  	[smem:$0x3FAE] =	sst s3  }
0xc: {  	[smem:$0x3FAF] =	sst s4  }
0xd: {  	[smem:$0x3FB0] =	sst s5  }
0xe: {  	[smem:$0x3FB1] =	sst s6  }
0xf: {  	[smem:$0x3FB2] =	sst s7  }
0x10: {  	[smem:$0x3FB3] =	sst s8  }
0x11: {  	[smem:$0x3FB4] =	sst s9;
	s0 =	simm.s32 @!p0 $0x0  }
0x12: {  	s1 =	sld [smem:$0x3F9A];
	s0 =	simm.s32 @p0 $0x1  }
0x13: {  	[smem:$0x3FB5] =	sst s0;
	s0 =	simm.s32 @!p1 $0x0  }
0x14: {  	s2 =	sld [smem:$0x3F99];
	s0 =	simm.s32 @p1 $0x1  }
0x15: {  	[smem:$0x3FB6] =	sst s0;
	s0 =	simm.s32 @!p2 $0x0  }
0x16: {  	s3 =	sld [smem:$0x3FDB];
	s0 =	simm.s32 @p2 $0x1  }
0x17: {  	s4 =	simm.s32 $0x1BF5;
	[smem:$0x3FB8] =	sst s0  }
0x18: {  	s0 =	sld [smem:$0x3F9B];
	_ =	swait.ge [sflag:s4], $0x0  }
0x19: {  	s7 =	sld [smem:$0x3F9C]  }
0x1a: {  	s8 =	sadd.s32 $0xFFFFE003, lr  }
0x1b: {  	s9 =	sadd.s32 $0xFFFFFEF7, lr;
	s5 =	simm.s32 $0xFFFFFFFF;
	p2 =	slt.u32 s8, $0xFFFFF086  }
0x1c: {  	p1 =	slt.u32 s9, $0xF7A;
	s5 =	simm.s32 @!p2 $0x0  }
0x1d: {  	s5 =	simm.s32 @p1 $0x1;
	p0 =	seq.s32 s7, s2  }
0x1e: {  	s7 =	smul.u32 @!p0 $0xF7A, s2;
	p2 =	seq.s32 @!p0 s5, $0x0  }
0x1f: {  	s9 =	smul.u32 $0xF7A, s1;
	s8 =	simm.s32 @!p0 $0x1BF5;
	p2 =	por !p2, p0  }
0x20: {  	[sflag:s8] =	ssyncset.s32 @!p0 $0xFFFFF086;
	s6 =	sadd.s32 @!p0 s3, s7;
	s7 =	simm.s32 @!p0 $0x108  }
0x21: {  	s3 =	sadd.s32 s3, s9;
	s6 =	sadd.s32 @!p0 $0x88, s6;
	s7 =	simm.s32 @p2 $0x1082  }
0x22: {  	[simem:s7], [sflag:s8] =	dma.local @!p0 [hbm:s6], $0xF7A  }
0x23: {  	s9 =	sor.u32 $0xD0000000, s2;
	s6 =	simm.s32 $0x108;
	_ =	swait.ge @!p0 [sflag:s8], $0x0  }
0x24: {  	s3 =	sadd.s32 $0x88, s3;
	s6 =	simm.s32 @!p1 $0x1082;
	[sflag:s4] =	ssyncset.s32 $0xFFFFF086  }
0x25: {  	[simem:s6], [sflag:s4] =	dma.local [hbm:s3], $0xF7A  }
0x26: {  	[smem:$0x3F9C] =	sst s1;
	(tag) =	ssettag s2;
	_ =	strace s9  }
0x27: {  	s1 =	sld [smem:$0x3FAC]  }
0x28: {  	s2 =	sld [smem:$0x3FAD]  }
0x29: {  	s4 =	sld [smem:$0x3FAF]  }
0x2a: {  	p0 =	seq.s32 s5, $0x0;
	s5 =	sld [smem:$0x3FB0]  }
0x2b: {  	s6 =	sld [smem:$0x3FB1]  }
0x2c: {  	s7 =	sld [smem:$0x3FB2]  }
0x2d: {  	s3 =	simm.s32 $0x108;
	s8 =	sld [smem:$0x3FB3]  }
0x2e: {  	s3 =	simm.s32 @!p0 $0x1082;
	s9 =	sld [smem:$0x3FB4]  }
0x2f: {  	lr =	sadd.s32 s0, s3;
	s0 =	sld [smem:$0x3FAB]  }
0x30: {  	s3 =	sld [smem:$0x3FAE]  }
0x31: {  	[smem:$0x3FB7] =	sst s10  }
0x32: {  	s10 =	sld [smem:$0x3FB5];
	_ =	sdelay $0x3  }
0x33: {  	p0 =	seq.s32 s10, $0x1;
	s10 =	sld [smem:$0x3FB7];
	_ =	sdelay $0x3  }
0x34: {  	[smem:$0x3FB7] =	sst s10  }
0x35: {  	s10 =	sld [smem:$0x3FB6];
	_ =	sdelay $0x3  }
0x36: {  	p1 =	seq.s32 s10, $0x1;
	s10 =	sld [smem:$0x3FB7];
	_ =	sdelay $0x3  }
0x37: {  	[smem:$0x3FB7] =	sst s10  }
0x38: {  	s10 =	sld [smem:$0x3FB8]  }
0x39: {  	_ = 	snop;
	(pc) =	sbr.ind lr, $3  }
0x3a: {  	_ = 	snop  }
0x3b: {  	_ = 	snop  }
0x3c: {  	p2 =	seq.s32 s10, $0x1;
	s10 =	sld [smem:$0x3FB7]  }
0x3d: {  	_ =	shalt  }
0x3e: {  	_ =	shalt  }
0x3f: {  	_ =	shalt  }
0x40: {  	_ =	shalt  }
0x41: {  	_ =	shalt  }
0x42: {  	_ =	shalt  }
0x43: {  	_ =	shalt  }
0x44: {  	_ =	shalt  }
0x45: {  	_ =	shalt  }
0x46: {  	_ =	shalt  }
0x47: {  	_ =	shalt  }
0x48: {  	_ =	shalt  }
0x49: {  	_ =	shalt  }
0x4a: {  	_ =	shalt  }
0x4b: {  	_ =	shalt  }
0x4c: {  	_ =	shalt  }
0x4d: {  	_ =	shalt  }
0x4e: {  	_ =	shalt  }
0x4f: {  	_ =	shalt  }
0x50: {  	_ =	shalt  }
0x51: {  	_ =	shalt  }
0x52: {  	_ =	shalt  }
0x53: {  	_ =	shalt  }
0x54: {  	_ =	shalt  }
0x55: {  	_ =	shalt  }
0x56: {  	_ =	shalt  }
0x57: {  	_ =	shalt  }
0x58: {  	_ =	shalt  }
0x59: {  	_ =	shalt  }
0x5a: {  	_ =	shalt  }
0x5b: {  	_ =	shalt  }
0x5c: {  	_ =	shalt  }
0x5d: {  	_ =	shalt  }
0x5e: {  	_ =	shalt  }
0x5f: {  	_ =	shalt  }
0x60: {  	_ =	shalt  }
0x61: {  	_ =	shalt  }
0x62: {  	_ =	shalt  }
0x63: {  	_ =	shalt  }
0x64: {  	_ =	shalt  }
0x65: {  	_ =	shalt  }
0x66: {  	_ =	shalt  }
0x67: {  	_ =	shalt  }
0x68: {  	_ =	shalt  }
0x69: {  	_ =	shalt  }
0x6a: {  	_ =	shalt  }
0x6b: {  	_ =	shalt  }
0x6c: {  	_ =	shalt  }
0x6d: {  	_ =	shalt  }
0x6e: {  	_ =	shalt  }
0x6f: {  	_ =	shalt  }
0x70: {  	_ =	shalt  }
0x71: {  	_ =	shalt  }
0x72: {  	_ =	shalt  }
0x73: {  	_ =	shalt  }
0x74: {  	_ =	shalt  }
0x75: {  	_ =	shalt  }
0x76: {  	_ =	shalt  }
0x77: {  	_ =	shalt  }
0x78: {  	_ =	shalt  }
0x79: {  	_ =	shalt  }
0x7a: {  	_ =	shalt  }
0x7b: {  	_ =	shalt  }
0x7c: {  	_ =	shalt  }
0x7d: {  	_ =	shalt  }
0x7e: {  	_ =	shalt  }
0x7f: {  	_ =	shalt  }
0x80: {  	_ =	shalt  }
0x81: {  	_ =	shalt  }
0x82: {  	_ =	shalt  }
0x83: {  	_ =	shalt  }
0x84: {  	_ =	shalt  }
0x85: {  	_ =	shalt  }
0x86: {  	_ =	shalt  }
0x87: {  	_ =	shalt  }
.Lfunc_end0:
.L_simem_size_0:
called_computation.1_lowered:
.L_overlay_start_0:
0x88: {  	s2 =	sld [smem:$0x3FD9]  }
0x89: {  	s3 =	sld [smem:$0x3FFE];
	_ =	sdelay $0x1  }
0x8a: {  	s1 =	srdreg.scid  }
0x8b: {  	s0 =	sand.u32 $0x1, s1  }
0x8c: {  	s17 =	sshll.u32 s0, $0xA;
	s2 =	sadd.s32 s3, s2  }
0x8d: {  	s2 =	sadd.s32 s2, s17  }
0x8e: {  	[smem:$0x3FC3] =	sst s2  }
0x8f: {  	_ = 	snop  }
0x90: {  	s2 =	sld [smem:$0x3FC8]  }
0x91: {  	s18 =	sld [smem:$0x3FC7]  }
0x92: {  	s4 =	sld [smem:$0x3FD0];
	(tm) =	ssettm $0x1  }
0x93: {  	s5 =	sld [smem:$0x3FFB];
	_ =	sdelay $0x3  }
0x94: {  	_ =	strace s5  }
0x95: {  	s5 =	sld [smem:$0x3FFC];
	_ =	sdelay $0x3  }
0x96: {  	_ =	strace s5  }
0x97: {  	s5 =	sld [smem:$0x3FFD];
	_ =	sdelay $0x3  }
0x98: {  	_ =	strace s5  }
0x99: {  	_ =	strace $0x8FFFFFFF  }
0x9a: {  	s19 =	sld [smem:$0x3FDB];
	_ =	sdelay $0x1  }
0x9b: {  	s6 =	simm.s32 $_scs_section_size  }
0x9c: {  	s7 =	simm.s32 $_size__tile_overlayer_lowered;
	s8 =	simm.s32 $_tile_overlayer_lowered  }
0x9d: {  	s22 =	simm.s32 $0x1BFF;
	s21 =	sshll.u32 s8, $0x1;
	s5 =	sadd.s32 s6, s19  }
0x9e: {  	s9 =	simm.s32 $0x0;
	s20 =	sshll.u32 s7, $0x1;
	s7 =	sadd.s32 s21, s5  }
0x9f: {  	[timem:s9], [sflag:s22] =	dma.local [hbm:s7], s20  }
0xa0: {  	_ =	swait.ge [sflag:s22], s20  }
0xa1: {  	s6 =	ssub.s32 $0x0, s20;
	[sflag:s22] =	ssyncset.done $0x0  }
0xa2: {  	[sflag:s22] =	ssyncadd.s32 s6;
	_ =	sdelay $0x1  }
0xa3: {  	s23 =	simm.s32 $0x1B8B  }
0xa4: {  	_ =	swait.ge [sflag:s23], $0x1  }
0xa5: {  	[sflag:s23] =	ssyncset.done $0x0  }
0xa6: {  	s25 =	simm.s32 $0x1B8E;
	s24 =	sld [smem:$0x3FFE];
	[sflag:s23] =	ssyncadd.s32 $0xFFFFFFFF  }
0xa7: {  	s26 =	simm.s32 $execute0_lowered;
	[smem:$0x3FD2] =	sst s25  }
0xa8: {  	s7 =	sshll.u32 s26, $0x1;
	_ =	strace $0x80000049;
	[dreg:$0x1] =	wrdreg $0xFFFFFFFF  }
0xa9: {  	s28 =	simm.s32 $_size_execute0_lowered;
	s5 =	sadd.s32 s5, s7;
	[dreg:$0x0] =	wrdreg $0x0  }
0xaa: {  	s7 =	sshll.u32 s28, $0x1;
	[dreg:$0x2] =	wrdreg s5  }
0xab: {  	[dreg:$0x3] =	wrdreg s7  }
0xac: {  	[dreg:$0x4] =	wrdreg $0xC0  }
0xad: {  	_ =	task [dreg:s9], $0x5FFFF  }
0xae: {  	[dreg:$0x1] =	wrdreg $0xFFFFFFFF  }
0xaf: {  	[dreg:$0x0] =	wrdreg $0x60  }
0xb0: {  	[dreg:$0x2] =	wrdreg s4  }
0xb1: {  	[dreg:$0x3] =	wrdreg s2  }
0xb2: {  	[dreg:$0x4] =	wrdreg s18  }
0xb3: {  	[dreg:$0x5] =	wrdreg s24  }
0xb4: {  	[dreg:$0x6] =	wrdreg $0x9  }
0xb5: {  	_ =	task.clear_ibuf [dreg:s9], $0x7FFFF;
	_ =	strace $0x90000049  }
0xb6: {  	s29 =	simm.s32 $0x9;
	_ =	strace $0x8000004B  }
0xb7: {  	_ =	swait.ge [sflag:s29], $0x1  }
0xb8: {  	[sflag:s29] =	ssyncadd.s32 $0xFFFFFFFF  }
0xb9: {  	_ =	strace $0x9000004B  }
0xba: {  	_ =	sfence  }
0xbb: {  	s30 =	sld [smem:$0x0];
	_ =	sdelay $0x2  }
0xbc: {  	s31 =	sshll.u32 s1, $0xD;
	s1 =	sshrl.u32 s1, $0x2  }
0xbd: {  	s3 =	sand.u32 $0x4000, s31;
	s1 =	sadd.s32 s1, s30  }
0xbe: {  	s0 =	sor.u32 s3, s0;
	s1 =	sshll.u32 s1, $0x11  }
0xbf: {  	s0 =	sor.u32 s1, s0  }
0xc0: {  	s0 =	sadd.s32 $0x8F2B, s0  }
0xc1: {  	[sflag:s0] =	ssyncadd.remote.s32 $0x1  }
0xc2: {  	_ =	sfence.sel $0xFFFF  }
0xc3: {  	[dreg:$0x0] =	wrdreg $0xFFFFFFFF;
	(pc) =	sbr.abs _section_cstart, $3  }
0xc4: {  	[dreg:$0x1] =	wrdreg $0xFFFFFFFF  }
0xc5: {  	_ =	task.clear_ibuf [dreg:s9], $0x2FFFF;
	_ =	strace $0x9FFFFFFF  }
0xc6: {  	(tm) =	ssettm $0x7FFFFFFF  }
0xc7: {  	_ =	shalt  }
tec
execute0_lowered:
.L_overlay_start_1:
0x0: {  	(tag) =	ssettag $0x1  }
0x1: {  	s6 =	rddreg [dreg:$0x0]  }
0x2: {  	s2 =	rddreg [dreg:$0x1]  }
0x3: {  	s3 =	rddreg [dreg:$0x2]  }
0x4: {  	s9 =	rddreg [dreg:$0x3]  }
0x5: {  	s4 =	srdreg.scid;
	s1 =	stileid.u32  }
0x6: {  	s0 =	rddreg [dreg:$0x4];
	s13 =	simm.s32 $0x13C80;
	s14 =	simm.s32 $0x14C80  }
0x7: {  	s15 =	simm.s32 $0x15C80;
	s16 =	simm.s32 $0x14480;
	s17 =	simm.s32 $0x15480  }
0x8: {  	s18 =	simm.s32 $0x16480;
	s19 =	simm.s32 $0x1;
	s20 =	simm.s32 $0x9C80  }
0x9: {  	s21 =	simm.s32 $0x2;
	s22 =	simm.s32 $0x80;
	s23 =	simm.s32 $0x400  }
0xa: {  	s24 =	simm.s32 $0x0;
	s5 =	sand.u32 $0x1, s4;
	s7 =	sshll.u32 s1, $0x1  }
0xb: {  	s4 =	simm.s32 $0x0;
	s8 =	sshrl.u32 s1, $0x2;
	s7 =	sor.u32 s5, s7  }
0xc: {  	[smem:$0x7FF] =	sst s4;
	s8 =	smul.u32 $0x50000, s8;
	s31 =	ssub.s32 $0x2, s5  }
0xd: {  	s5 =	sadd.s32 $0x1800, s9;
	s10 =	sshll.u32 s7, $0x7;
	s7 =	smul.u32 $0x1388, s7  }
.Ltmp0:
0xe: {  	s11 =	sshrl.u32 s31, $0x1;
	s10 =	sand.u32 $0x380, s10;
	(pc) =	sbr.rel .LBB2_1-.Ltmp0, $4  }
0xf: {  	_ =	strace $0x8000004A;
	s11 =	ssub.s32 s31, s11;
	s8 =	sor.u32 s8, s10  }
0x10: {  	s6 =	sadd.s32 s6, s7;
	s7 =	sadd.s32 $0xFA, s2;
	s8 =	sshrl.u32 s8, $0x3  }
0x11: {  	s11 =	smax.u32 s11, $0x1;
	s12 =	sadd.s32 s8, s9;
	s8 =	sadd.s32 $0xFA, s3  }
0x12: {  	v0 =	vimm.f32 $0.0e+00;
	s9 =	sadd.s32 $0x18FA, s9;
	s10 =	sadd.s32 $0x15600, s12;
	s12 =	simm.s32 $0x3  }
.LBB2_10:
0x13: {  	s24 =	sadd.s32 $0x1, s24  }
0x14: {  	p0 =	sne.s32 s24, s11  }
.Ltmp1:
0x15: {  	_ = 	snop;
	(pc) =	sbr.rel @!p0 .LBB2_11-.Ltmp1, $4  }
0x16: {  	[hbm4b:s10+s22] =	stream.strided.scatter [tilespmem:s20], [sflag:$0x3], $0xA000, s23, s22, $0x38;
	[tilespmem:$0x16C80] =	vst v63  }
0x17: {  	_ =	swait.ge [sflag:s12], $0xA000  }
0x18: {  	[sflag:s12] =	ssyncset.done $0x0  }
0x19: {  	[sflag:s12] =	ssyncadd.s32 $0xFFFF6000  }
.LBB2_1:
0x1a: {  	[tilespmem:s4], [sflag:$0x3] =	stream.linear.gather [hbm4b:s6+s4], $0x9C40, $0x38;
	[tilespmem:$0x16C80] =	vst v63  }
0x1b: {  	_ =	swait.ge [sflag:s12], $0x9C40  }
0x1c: {  	[sflag:s12] =	ssyncset.done $0x0  }
0x1d: {  	s25 =	simm.s32 $0x40;
	s26 =	simm.s32 $0x0;
	[sflag:s12] =	ssyncadd.s32 $0xFFFF63C0  }
.LBB2_2:
0x1e: {  	p0 =	sne.s32 s25, $0x27FC0;
	[tilespmem:s26+$0x9C80] =	vst v0;
	s26 =	smov.u32 s25;
	s25 =	sadd.s32 $0x40, s25  }
.Ltmp2:
0x1f: {  	(pc) =	sbr.rel @p0 .LBB2_2-.Ltmp2, $2  }
0x20: {  	_ =	sdelay $0x2  }
0x21: {  	s26 =	sshra.s32 s26, $0x2  }
0x22: {  	[tilespmem:s26+$0x9C80] =	vst v0;
	s25 =	simm.s32 $0x0  }
0x23: {  	[tilespmem:s13], [sflag:$0x1] =	stream.linear.gather [hbm4b:s2+s25], $0x7D0, $0x38;
	[tilespmem:$0x16C80] =	vst v63  }
0x24: {  	_ = 	snop  }
0x25: {  	[tilespmem:s14], [sflag:$0x1] =	stream.linear.gather [hbm4b:s3+s25], $0x7D0, $0x38;
	[tilespmem:$0x16C80] =	vst v63  }
0x26: {  	_ = 	snop  }
0x27: {  	[tilespmem:s15], [sflag:$0x1] =	stream.linear.gather [hbm4b:s5+s25], $0x7D0, $0x38;
	[tilespmem:$0x16C80] =	vst v63  }
0x28: {  	_ = 	snop  }
0x29: {  	[tilespmem:s16], [sflag:$0x2] =	stream.linear.gather [hbm4b:s7+s25], $0x7D0, $0x38;
	[tilespmem:$0x16C80] =	vst v63  }
0x2a: {  	_ = 	snop  }
0x2b: {  	[tilespmem:s17], [sflag:$0x2] =	stream.linear.gather [hbm4b:s8+s25], $0x7D0, $0x38;
	[tilespmem:$0x16C80] =	vst v63  }
0x2c: {  	_ = 	snop  }
0x2d: {  	[tilespmem:s18], [sflag:$0x2] =	stream.linear.gather [hbm4b:s9+s25], $0x7D0, $0x38;
	[tilespmem:$0x16C80] =	vst v63  }
.LBB2_4:
0x2e: {  	_ =	swait.ge [sflag:s19], $0x7D0  }
0x2f: {  	[sflag:s19] =	ssyncset.done $0x0  }
0x30: {  	[sflag:s19] =	ssyncadd.s32 $0xFFFFF830  }
0x31: {  	_ =	swait.ge [sflag:s19], $0x7D0  }
0x32: {  	[sflag:s19] =	ssyncset.done $0x0  }
0x33: {  	[sflag:s19] =	ssyncadd.s32 $0xFFFFF830  }
0x34: {  	_ =	swait.ge [sflag:s19], $0x7D0  }
0x35: {  	[sflag:s19] =	ssyncset.done $0x0  }
0x36: {  	s26 =	simm.s32 $0x13CA0;
	[sflag:s19] =	ssyncadd.s32 $0xFFFFF830  }
0x37: {  	v5 =	vld [tilespmem:s26+$0x20]  }
0x38: {  	v6 =	vld [tilespmem:s26+$0xFFFFFFF0]  }
0x39: {  	v7 =	vld [tilespmem:s26+$0x0]  }
0x3a: {  	v8 =	vld [tilespmem:s26+$0xFFFFFFE0]  }
0x3b: {  	s28 =	simm.s32 $0x15CA0;
	v11 =	vld [tilespmem:s26+$0x10]  }
0x3c: {  	v10 =	vld [tilespmem:s28+$0x20]  }
0x3d: {  	s26 =	simm.s32 $0x14CA0;
	v4 =	vld [tilespmem:s28+$0xFFFFFFE0]  }
0x3e: {  	v9 =	vld [tilespmem:s26+$0x20]  }
0x3f: {  	v1 =	vld.idx.msk [tilespmem:v5+s4+$0x0], $0xffff  }
0x40: {  	v17 =	vld [tilespmem:s26+$0xFFFFFFE0]  }
0x41: {  	v19 =	vld [tilespmem:s26+$0xFFFFFFF0]  }
0x42: {  	v21 =	vld [tilespmem:s26+$0x0];
	v2 =	vadd.s32 $0x2710, v5  }
0x43: {  	v22 =	vld [tilespmem:s26+$0x10]  }
0x44: {  	v12 =	vld.idx.msk [tilespmem:v6+s4+$0x0], $0xffff;
	v3 =	vmul.f32 v1, v10  }
0x45: {  	v14 =	vld.idx.msk [tilespmem:v8+s4+$0x0], $0xffff  }
0x46: {  	[tilespmem:v9+s20+$0x0] =	vst.idx.add.f32.msk $0xffff, v3  }
0x47: {  	v16 =	vld.idx.msk [tilespmem:v2+s4+$0x0], $0xffff  }
0x48: {  	v1 =	vld [tilespmem:s28+$0xFFFFFFF0]  }
0x49: {  	v18 =	vadd.s32 $0x2800, v9;
	v13 =	vld.idx.msk [tilespmem:v7+s4+$0x0], $0xffff  }
0x4a: {  	v15 =	vld.idx.msk [tilespmem:v11+s4+$0x0], $0xffff;
	v14 =	vmul.f32 v14, v4  }
0x4b: {  	v20 =	vadd.s32 $0x4E20, v5;
	v3 =	vld [tilespmem:s28+$0x0]  }
0x4c: {  	v23 =	vadd.s32 $0x2710, v8;
	[tilespmem:v17+s20+$0x0] =	vst.idx.add.f32.msk $0xffff, v14;
	v16 =	vmul.f32 v16, v10  }
0x4d: {  	v2 =	vld [tilespmem:s28+$0x10];
	v12 =	vmul.f32 v12, v1  }
0x4e: {  	[tilespmem:v18+s20+$0x0] =	vst.idx.add.f32.msk $0xffff, v16;
	v16 =	vadd.s32 $0x2710, v6  }
0x4f: {  	[tilespmem:v19+s20+$0x0] =	vst.idx.add.f32.msk $0xffff, v12  }
0x50: {  	v13 =	vmul.f32 v13, v3;
	v12 =	vadd.s32 $0x2710, v11;
	v18 =	vld.idx.msk [tilespmem:v20+s4+$0x0], $0xffff  }
0x51: {  	v14 =	vadd.s32 $0x2710, v7;
	v58 =	vld.idx.msk [tilespmem:v23+s4+$0x0], $0xffff  }
0x52: {  	[tilespmem:v21+s20+$0x0] =	vst.idx.add.f32.msk $0xffff, v13;
	v13 =	vmul.f32 v15, v2;
	v15 =	vadd.s32 $0x5000, v9  }
0x53: {  	v5 =	vadd.s32 $0x7530, v5;
	v16 =	vld.idx.msk [tilespmem:v16+s4+$0x0], $0xffff  }
0x54: {  	v59 =	vadd.s32 $0x2800, v17;
	[tilespmem:v22+s20+$0x0] =	vst.idx.add.f32.msk $0xffff, v13  }
0x55: {  	v13 =	vadd.s32 $0x2800, v19;
	v12 =	vld.idx.msk [tilespmem:v12+s4+$0x0], $0xffff;
	v18 =	vmul.f32 v18, v10  }
0x56: {  	v24 =	vadd.s32 $0x4E20, v8;
	v14 =	vld.idx.msk [tilespmem:v14+s4+$0x0], $0xffff  }
0x57: {  	[tilespmem:v15+s20+$0x0] =	vst.idx.add.f32.msk $0xffff, v18;
	v15 =	vmul.f32 v58, v4;
	v18 =	vadd.s32 $0x2800, v22  }
0x58: {  	v60 =	vadd.s32 $0x4E20, v6;
	v5 =	vld.idx.msk [tilespmem:v5+s4+$0x0], $0xffff;
	v16 =	vmul.f32 v16, v1  }
0x59: {  	v25 =	vadd.s32 $0x2800, v21;
	[tilespmem:v59+s20+$0x0] =	vst.idx.add.f32.msk $0xffff, v15  }
0x5a: {  	v12 =	vmul.f32 v12, v2;
	v15 =	vadd.s32 $0x4E20, v7;
	[tilespmem:v13+s20+$0x0] =	vst.idx.add.f32.msk $0xffff, v16  }
0x5b: {  	v13 =	vmul.f32 v14, v3;
	v14 =	vadd.s32 $0x4E20, v11;
	v16 =	vld.idx.msk [tilespmem:v24+s4+$0x0], $0xffff  }
0x5c: {  	[tilespmem:v18+s20+$0x0] =	vst.idx.add.f32.msk $0xffff, v12  }
0x5d: {  	v12 =	vadd.s32 $0x5000, v17;
	v18 =	vld.idx.msk [tilespmem:v60+s4+$0x0], $0xffff  }
0x5e: {  	v8 =	vadd.s32 $0x7530, v8;
	[tilespmem:v25+s20+$0x0] =	vst.idx.add.f32.msk $0xffff, v13  }
0x5f: {  	v13 =	vadd.s32 $0x7800, v9;
	v61 =	vld.idx.msk [tilespmem:v15+s4+$0x0], $0xffff  }
0x60: {  	v62 =	vadd.s32 $0x5000, v19;
	v63 =	vld.idx.msk [tilespmem:v14+s4+$0x0], $0xffff;
	v14 =	vmul.f32 v16, v4  }
0x61: {  	v11 =	vadd.s32 $0x7530, v11  }
0x62: {  	v5 =	vmul.f32 v5, v10;
	v9 =	vadd.s32 $0x7530, v6;
	v10 =	vadd.s32 $0x7530, v7;
	[tilespmem:v12+s20+$0x0] =	vst.idx.add.f32.msk $0xffff, v14  }
0x63: {  	v6 =	vadd.s32 $0x7800, v17;
	v7 =	vadd.s32 $0x7800, v21;
	v16 =	vmul.f32 v18, v1;
	v12 =	vld.idx.msk [tilespmem:v8+s4+$0x0], $0xffff  }
0x64: {  	v15 =	vadd.s32 $0x5000, v22;
	[tilespmem:v13+s20+$0x0] =	vst.idx.add.f32.msk $0xffff, v5;
	v5 =	vadd.s32 $0x7800, v19;
	v14 =	vadd.s32 $0x5000, v21  }
0x65: {  	s29 =	simm.s32 $0x0;
	s30 =	simm.s32 $0x13CF0;
	v8 =	vadd.s32 $0x7800, v22;
	v13 =	vmul.f32 v61, v3;
	[tilespmem:v62+s20+$0x0] =	vst.idx.add.f32.msk $0xffff, v16;
	v16 =	vmul.f32 v63, v2  }
.LBB2_5:
0x66: {  	v17 =	vld [tilespmem:s30+$0x20];
	s29 =	sadd.s32 $0x5, s29  }
0x67: {  	v18 =	vld [tilespmem:s30+$0xFFFFFFF0];
	p0 =	slt.u32 s29, $0x78  }
0x68: {  	v20 =	vmul.f32 v12, v4;
	v19 =	vld [tilespmem:s30+$0x0]  }
0x69: {  	v4 =	vld [tilespmem:s30+$0x10]  }
0x6a: {  	v21 =	vld [tilespmem:s30+$0xFFFFFFE0]  }
0x6b: {  	[tilespmem:v14+s20+$0x0] =	vst.idx.add.f32.msk $0xffff, v13  }
0x6c: {  	s26 =	sadd.s32 $0x50, s26;
	v22 =	vadd.s32 $0x2710, v18;
	v12 =	vadd.s32 $0x4E20, v18;
	v14 =	vadd.s32 $0x7530, v18;
	[tilespmem:v15+s20+$0x0] =	vst.idx.add.f32.msk $0xffff, v16  }
0x6d: {  	v16 =	vadd.s32 $0x2710, v19;
	v13 =	vadd.s32 $0x4E20, v19;
	v15 =	vadd.s32 $0x7530, v19;
	v23 =	vld [tilespmem:s26+$0x20]  }
0x6e: {  	s28 =	sadd.s32 $0x50, s28;
	v24 =	vadd.s32 $0x2710, v4;
	v25 =	vadd.s32 $0x4E20, v4;
	v26 =	vadd.s32 $0x7530, v4;
	v27 =	vld.idx.msk [tilespmem:v17+s4+$0x0], $0xffff  }
0x6f: {  	v28 =	vadd.s32 $0x2710, v21;
	v29 =	vadd.s32 $0x4E20, v21;
	v30 =	vadd.s32 $0x7530, v21;
	v31 =	vld [tilespmem:s28+$0x20]  }
0x70: {  	v18 =	vld.idx.msk [tilespmem:v18+s4+$0x0], $0xffff  }
0x71: {  	v19 =	vld.idx.msk [tilespmem:v19+s4+$0x0], $0xffff  }
0x72: {  	v32 =	vadd.s32 $0x2710, v17;
	v21 =	vld.idx.msk [tilespmem:v21+s4+$0x0], $0xffff  }
0x73: {  	v33 =	vld.idx.msk [tilespmem:v4+s4+$0x0], $0xffff  }
0x74: {  	v4 =	vld [tilespmem:s28+$0xFFFFFFE0];
	v27 =	vmul.f32 v27, v31  }
0x75: {  	v34 =	vld [tilespmem:s28+$0xFFFFFFF0]  }
0x76: {  	[tilespmem:v23+s20+$0x0] =	vst.idx.add.f32.msk $0xffff, v27  }
0x77: {  	v27 =	vld.idx.msk [tilespmem:v32+s4+$0x0], $0xffff  }
0x78: {  	v32 =	vld [tilespmem:s28+$0x0]  }
0x79: {  	v21 =	vmul.f32 v21, v4;
	v35 =	vld [tilespmem:s28+$0x10]  }
0x7a: {  	v37 =	vadd.s32 $0x2800, v23;
	v36 =	vld [tilespmem:s26+$0xFFFFFFE0];
	v18 =	vmul.f32 v18, v34  }
0x7b: {  	v39 =	vadd.s32 $0x4E20, v17;
	v38 =	vld [tilespmem:s26+$0xFFFFFFF0]  }
0x7c: {  	v40 =	vld [tilespmem:s26+$0x0]  }
0x7d: {  	v27 =	vmul.f32 v27, v31;
	v19 =	vmul.f32 v19, v32;
	v41 =	vld [tilespmem:s26+$0x10]  }
0x7e: {  	v33 =	vmul.f32 v33, v35;
	v42 =	vld.idx.msk [tilespmem:v9+s4+$0x0], $0xffff;
	v9 =	vmov v14  }
0x7f: {  	v43 =	vadd.s32 $0x2800, v36;
	v44 =	vadd.s32 $0x5000, v36;
	v45 =	vadd.s32 $0x7800, v36;
	[tilespmem:v37+s20+$0x0] =	vst.idx.add.f32.msk $0xffff, v27  }
0x80: {  	v27 =	vadd.s32 $0x2800, v38;
	v37 =	vadd.s32 $0x5000, v38;
	v46 =	vadd.s32 $0x7800, v38;
	v39 =	vld.idx.msk [tilespmem:v39+s4+$0x0], $0xffff  }
0x81: {  	v47 =	vadd.s32 $0x2800, v40;
	v14 =	vadd.s32 $0x5000, v40;
	v48 =	vadd.s32 $0x7800, v40;
	v49 =	vld.idx.msk [tilespmem:v10+s4+$0x0], $0xffff;
	v10 =	vmovc v15  }
0x82: {  	[tilespmem:v36+s20+$0x0] =	vst.idx.add.f32.msk $0xffff, v21;
	v21 =	vadd.s32 $0x2800, v41;
	v15 =	vadd.s32 $0x5000, v41;
	v36 =	vadd.s32 $0x7800, v41  }
0x83: {  	[tilespmem:v38+s20+$0x0] =	vst.idx.add.f32.msk $0xffff, v18;
	v18 =	vadd.s32 $0x5000, v23  }
0x84: {  	v17 =	vadd.s32 $0x7530, v17;
	[tilespmem:v40+s20+$0x0] =	vst.idx.add.f32.msk $0xffff, v19;
	v19 =	vmul.f32 v42, v1;
	v1 =	vmov v34  }
0x85: {  	[tilespmem:v41+s20+$0x0] =	vst.idx.add.f32.msk $0xffff, v33  }
0x86: {  	v33 =	vmul.f32 v39, v31;
	v28 =	vld.idx.msk [tilespmem:v28+s4+$0x0], $0xffff  }
0x87: {  	v34 =	vmul.f32 v49, v3;
	v3 =	vmov v32;
	v22 =	vld.idx.msk [tilespmem:v22+s4+$0x0], $0xffff  }
0x88: {  	[tilespmem:v18+s20+$0x0] =	vst.idx.add.f32.msk $0xffff, v33  }
0x89: {  	v17 =	vld.idx.msk [tilespmem:v17+s4+$0x0], $0xffff  }
0x8a: {  	v16 =	vld.idx.msk [tilespmem:v16+s4+$0x0], $0xffff  }
0x8b: {  	v18 =	vld.idx.msk [tilespmem:v24+s4+$0x0], $0xffff  }
0x8c: {  	v23 =	vadd.s32 $0x7800, v23;
	v24 =	vmul.f32 v28, v4;
	v28 =	vld.idx.msk [tilespmem:v11+s4+$0x0], $0xffff;
	v11 =	vmov v26  }
0x8d: {  	v22 =	vmul.f32 v22, v1;
	[tilespmem:v6+s20+$0x0] =	vst.idx.add.f32.msk $0xffff, v20;
	v6 =	vmov v45  }
0x8e: {  	[tilespmem:v43+s20+$0x0] =	vst.idx.add.f32.msk $0xffff, v24  }
0x8f: {  	v17 =	vmul.f32 v17, v31;
	[tilespmem:v27+s20+$0x0] =	vst.idx.add.f32.msk $0xffff, v22  }
0x90: {  	v16 =	vmul.f32 v16, v3;
	v20 =	vld.idx.msk [tilespmem:v29+s4+$0x0], $0xffff  }
0x91: {  	v18 =	vmul.f32 v18, v35;
	[tilespmem:v23+s20+$0x0] =	vst.idx.add.f32.msk $0xffff, v17  }
0x92: {  	[tilespmem:v47+s20+$0x0] =	vst.idx.add.f32.msk $0xffff, v16;
	v16 =	vmul.f32 v28, v2;
	v2 =	vmov v35  }
0x93: {  	[tilespmem:v21+s20+$0x0] =	vst.idx.add.f32.msk $0xffff, v18  }
0x94: {  	v17 =	vld.idx.msk [tilespmem:v12+s4+$0x0], $0xffff  }
0x95: {  	v13 =	vld.idx.msk [tilespmem:v13+s4+$0x0], $0xffff  }
0x96: {  	v12 =	vmul.f32 v20, v4;
	v18 =	vld.idx.msk [tilespmem:v25+s4+$0x0], $0xffff  }
0x97: {  	[tilespmem:v5+s20+$0x0] =	vst.idx.add.f32.msk $0xffff, v19;
	v5 =	vmov v46  }
.Ltmp3:
0x98: {  	[tilespmem:v44+s20+$0x0] =	vst.idx.add.f32.msk $0xffff, v12;
	(pc) =	sbr.rel @p0 .LBB2_5-.Ltmp3, $4  }
0x99: {  	v12 =	vld.idx.msk [tilespmem:v30+s4+$0x0], $0xffff  }
0x9a: {  	v17 =	vmul.f32 v17, v1;
	[tilespmem:v7+s20+$0x0] =	vst.idx.add.f32.msk $0xffff, v34;
	v7 =	vmov v48  }
0x9b: {  	v13 =	vmul.f32 v13, v3;
	[tilespmem:v8+s20+$0x0] =	vst.idx.add.f32.msk $0xffff, v16;
	v8 =	vmov v36  }
0x9c: {  	s30 =	sadd.s32 $0x50, s30;
	v16 =	vmul.f32 v18, v2;
	[tilespmem:v37+s20+$0x0] =	vst.idx.add.f32.msk $0xffff, v17  }
0x9d: {  	_ =	sdelay $0x3  }
0x9e: {  	[tilespmem:v14+s20+$0x0] =	vst.idx.add.f32.msk $0xffff, v13  }
0x9f: {  	v9 =	vld.idx.msk [tilespmem:v9+s4+$0x0], $0xffff  }
0xa0: {  	[tilespmem:v15+s20+$0x0] =	vst.idx.add.f32.msk $0xffff, v16  }
0xa1: {  	v10 =	vld.idx.msk [tilespmem:v10+s4+$0x0], $0xffff  }
0xa2: {  	v11 =	vld.idx.msk [tilespmem:v11+s4+$0x0], $0xffff;
	_ =	sdelay $0x1  }
0xa3: {  	p0 =	seq.s32 s25, $0x4F;
	v4 =	vmul.f32 v12, v4  }
0xa4: {  	s26 =	smul.u32 @!p0 $0xFA0, s25;
	v1 =	vmul.f32 v9, v1  }
0xa5: {  	[tilespmem:v6+s20+$0x0] =	vst.idx.add.f32.msk $0xffff, v4;
	v3 =	vmul.f32 v10, v3  }
0xa6: {  	s26 =	sshrl.u32 @!p0 s26, $0x3;
	v2 =	vmul.f32 v11, v2;
	[tilespmem:v5+s20+$0x0] =	vst.idx.add.f32.msk $0xffff, v1  }
0xa7: {  	s26 =	sadd.s32 @!p0 $0x1F4, s26;
	[tilespmem:v7+s20+$0x0] =	vst.idx.add.f32.msk $0xffff, v3  }
0xa8: {  	s29 =	simm.s32 @!p0 $0x0;
	s30 =	simm.s32 @!p0 $0x13C80;
	s28 =	sadd.s32 @!p0 s2, s26;
	[tilespmem:v8+s20+$0x0] =	vst.idx.add.f32.msk $0xffff, v2  }
0xa9: {  	[tilespmem:s30], [sflag:$0x1] =	stream.linear.gather @!p0 [hbm4b:s28+s29], $0x7D0, $0x38;
	[tilespmem:$0x16C80] =	vst v63  }
0xaa: {  	s28 =	sadd.s32 @!p0 s3, s26;
	s30 =	simm.s32 @!p0 $0x14C80  }
0xab: {  	[tilespmem:s30], [sflag:$0x1] =	stream.linear.gather @!p0 [hbm4b:s28+s29], $0x7D0, $0x38;
	[tilespmem:$0x16C80] =	vst v63  }
0xac: {  	s26 =	sadd.s32 @!p0 s5, s26;
	s28 =	simm.s32 @!p0 $0x15C80  }
0xad: {  	[tilespmem:s28], [sflag:$0x1] =	stream.linear.gather @!p0 [hbm4b:s26+s29], $0x7D0, $0x38;
	[tilespmem:$0x16C80] =	vst v63  }
0xae: {  	_ =	swait.ge [sflag:s21], $0x7D0  }
0xaf: {  	[sflag:s21] =	ssyncset.done $0x0  }
0xb0: {  	[sflag:s21] =	ssyncadd.s32 $0xFFFFF830  }
0xb1: {  	_ =	swait.ge [sflag:s21], $0x7D0  }
0xb2: {  	[sflag:s21] =	ssyncset.done $0x0  }
0xb3: {  	[sflag:s21] =	ssyncadd.s32 $0xFFFFF830  }
0xb4: {  	_ =	swait.ge [sflag:s21], $0x7D0  }
0xb5: {  	[sflag:s21] =	ssyncset.done $0x0  }
0xb6: {  	s31 =	simm.s32 $0x144A0;
	[sflag:s21] =	ssyncadd.s32 $0xFFFFF830  }
0xb7: {  	v5 =	vld [tilespmem:s31+$0x20]  }
0xb8: {  	v6 =	vld [tilespmem:s31+$0xFFFFFFF0]  }
0xb9: {  	v8 =	vld [tilespmem:s31+$0x0]  }
0xba: {  	v7 =	vld [tilespmem:s31+$0xFFFFFFE0]  }
0xbb: {  	s26 =	simm.s32 $0x154A0;
	v9 =	vld [tilespmem:s31+$0x10]  }
0xbc: {  	s28 =	simm.s32 $0x164A0;
	v10 =	vld [tilespmem:s26+$0x20]  }
0xbd: {  	v11 =	vld [tilespmem:s28+$0x20]  }
0xbe: {  	v4 =	vld [tilespmem:s28+$0xFFFFFFE0]  }
0xbf: {  	v1 =	vld.idx.msk [tilespmem:v5+s4+$0x0], $0xffff  }
0xc0: {  	v17 =	vld [tilespmem:s26+$0xFFFFFFE0]  }
0xc1: {  	v19 =	vld [tilespmem:s26+$0xFFFFFFF0]  }
0xc2: {  	v21 =	vld [tilespmem:s26+$0x0];
	v2 =	vadd.s32 $0x2710, v5  }
0xc3: {  	v22 =	vld [tilespmem:s26+$0x10]  }
0xc4: {  	v12 =	vld.idx.msk [tilespmem:v6+s4+$0x0], $0xffff;
	v3 =	vmul.f32 v1, v11  }
0xc5: {  	v14 =	vld.idx.msk [tilespmem:v7+s4+$0x0], $0xffff  }
0xc6: {  	[tilespmem:v10+s20+$0x0] =	vst.idx.add.f32.msk $0xffff, v3  }
0xc7: {  	v16 =	vld.idx.msk [tilespmem:v2+s4+$0x0], $0xffff  }
0xc8: {  	v1 =	vld [tilespmem:s28+$0xFFFFFFF0]  }
0xc9: {  	v18 =	vadd.s32 $0x2800, v10;
	v13 =	vld.idx.msk [tilespmem:v8+s4+$0x0], $0xffff  }
0xca: {  	v15 =	vld.idx.msk [tilespmem:v9+s4+$0x0], $0xffff;
	v14 =	vmul.f32 v14, v4  }
0xcb: {  	v20 =	vadd.s32 $0x4E20, v5;
	v3 =	vld [tilespmem:s28+$0x0]  }
0xcc: {  	v23 =	vadd.s32 $0x2710, v7;
	[tilespmem:v17+s20+$0x0] =	vst.idx.add.f32.msk $0xffff, v14;
	v16 =	vmul.f32 v16, v11  }
0xcd: {  	v2 =	vld [tilespmem:s28+$0x10];
	v12 =	vmul.f32 v12, v1  }
0xce: {  	[tilespmem:v18+s20+$0x0] =	vst.idx.add.f32.msk $0xffff, v16;
	v16 =	vadd.s32 $0x2710, v6  }
0xcf: {  	[tilespmem:v19+s20+$0x0] =	vst.idx.add.f32.msk $0xffff, v12  }
0xd0: {  	v13 =	vmul.f32 v13, v3;
	v12 =	vadd.s32 $0x2710, v9;
	v18 =	vld.idx.msk [tilespmem:v20+s4+$0x0], $0xffff  }
0xd1: {  	v14 =	vadd.s32 $0x2710, v8;
	v58 =	vld.idx.msk [tilespmem:v23+s4+$0x0], $0xffff  }
0xd2: {  	[tilespmem:v21+s20+$0x0] =	vst.idx.add.f32.msk $0xffff, v13;
	v13 =	vmul.f32 v15, v2;
	v15 =	vadd.s32 $0x5000, v10  }
0xd3: {  	v5 =	vadd.s32 $0x7530, v5;
	v16 =	vld.idx.msk [tilespmem:v16+s4+$0x0], $0xffff  }
0xd4: {  	v59 =	vadd.s32 $0x2800, v17;
	[tilespmem:v22+s20+$0x0] =	vst.idx.add.f32.msk $0xffff, v13  }
0xd5: {  	v13 =	vadd.s32 $0x2800, v19;
	v12 =	vld.idx.msk [tilespmem:v12+s4+$0x0], $0xffff;
	v18 =	vmul.f32 v18, v11  }
0xd6: {  	v24 =	vadd.s32 $0x4E20, v7;
	v14 =	vld.idx.msk [tilespmem:v14+s4+$0x0], $0xffff  }
0xd7: {  	[tilespmem:v15+s20+$0x0] =	vst.idx.add.f32.msk $0xffff, v18;
	v15 =	vmul.f32 v58, v4;
	v18 =	vadd.s32 $0x2800, v22  }
0xd8: {  	v25 =	vadd.s32 $0x2800, v21;
	v5 =	vld.idx.msk [tilespmem:v5+s4+$0x0], $0xffff;
	v16 =	vmul.f32 v16, v1  }
0xd9: {  	v60 =	vadd.s32 $0x4E20, v6;
	[tilespmem:v59+s20+$0x0] =	vst.idx.add.f32.msk $0xffff, v15  }
0xda: {  	v12 =	vmul.f32 v12, v2;
	v15 =	vadd.s32 $0x4E20, v8;
	[tilespmem:v13+s20+$0x0] =	vst.idx.add.f32.msk $0xffff, v16  }
0xdb: {  	v13 =	vmul.f32 v14, v3;
	v14 =	vadd.s32 $0x4E20, v9;
	v16 =	vld.idx.msk [tilespmem:v24+s4+$0x0], $0xffff  }
0xdc: {  	[tilespmem:v18+s20+$0x0] =	vst.idx.add.f32.msk $0xffff, v12  }
0xdd: {  	v12 =	vadd.s32 $0x5000, v17;
	[tilespmem:v25+s20+$0x0] =	vst.idx.add.f32.msk $0xffff, v13  }
0xde: {  	v18 =	vadd.s32 $0x7530, v7;
	v13 =	vld.idx.msk [tilespmem:v60+s4+$0x0], $0xffff  }
0xdf: {  	v10 =	vadd.s32 $0x7800, v10;
	v61 =	vld.idx.msk [tilespmem:v15+s4+$0x0], $0xffff  }
0xe0: {  	v62 =	vadd.s32 $0x5000, v19;
	v5 =	vmul.f32 v5, v11;
	v63 =	vld.idx.msk [tilespmem:v14+s4+$0x0], $0xffff;
	v11 =	vmul.f32 v16, v4;
	_ =	sdelay $0x1  }
0xe1: {  	v8 =	vadd.s32 $0x7530, v8;
	v9 =	vadd.s32 $0x7530, v9;
	v7 =	vadd.s32 $0x7530, v6;
	[tilespmem:v12+s20+$0x0] =	vst.idx.add.f32.msk $0xffff, v11  }
0xe2: {  	v6 =	vadd.s32 $0x7800, v17;
	v15 =	vadd.s32 $0x5000, v22;
	v16 =	vmul.f32 v13, v1;
	v12 =	vld.idx.msk [tilespmem:v18+s4+$0x0], $0xffff  }
0xe3: {  	[tilespmem:v10+s20+$0x0] =	vst.idx.add.f32.msk $0xffff, v5;
	v5 =	vadd.s32 $0x7800, v19;
	v10 =	vadd.s32 $0x7800, v21;
	v14 =	vadd.s32 $0x5000, v21  }
0xe4: {  	s30 =	simm.s32 $0x144F0;
	s29 =	simm.s32 $0x0;
	v11 =	vadd.s32 $0x7800, v22;
	v13 =	vmul.f32 v61, v3;
	[tilespmem:v62+s20+$0x0] =	vst.idx.add.f32.msk $0xffff, v16;
	v16 =	vmul.f32 v63, v2  }
.LBB2_7:
0xe5: {  	v17 =	vld [tilespmem:s30+$0x20];
	s29 =	sadd.s32 $0x5, s29  }
0xe6: {  	v18 =	vld [tilespmem:s30+$0xFFFFFFF0];
	p1 =	slt.u32 s29, $0x78  }
0xe7: {  	v20 =	vmul.f32 v12, v4;
	v19 =	vld [tilespmem:s30+$0x0]  }
0xe8: {  	v4 =	vld [tilespmem:s30+$0x10]  }
0xe9: {  	v21 =	vld [tilespmem:s30+$0xFFFFFFE0]  }
0xea: {  	[tilespmem:v14+s20+$0x0] =	vst.idx.add.f32.msk $0xffff, v13  }
0xeb: {  	s26 =	sadd.s32 $0x50, s26;
	v22 =	vadd.s32 $0x2710, v18;
	v12 =	vadd.s32 $0x4E20, v18;
	v14 =	vadd.s32 $0x7530, v18;
	[tilespmem:v15+s20+$0x0] =	vst.idx.add.f32.msk $0xffff, v16  }
0xec: {  	v16 =	vadd.s32 $0x2710, v19;
	v13 =	vadd.s32 $0x4E20, v19;
	v15 =	vadd.s32 $0x7530, v19;
	v23 =	vld [tilespmem:s26+$0x20]  }
0xed: {  	s28 =	sadd.s32 $0x50, s28;
	v24 =	vadd.s32 $0x2710, v4;
	v25 =	vadd.s32 $0x4E20, v4;
	v26 =	vadd.s32 $0x7530, v4;
	v27 =	vld.idx.msk [tilespmem:v17+s4+$0x0], $0xffff  }
0xee: {  	v28 =	vadd.s32 $0x2710, v21;
	v29 =	vadd.s32 $0x4E20, v21;
	v30 =	vadd.s32 $0x7530, v21;
	v31 =	vld [tilespmem:s28+$0x20]  }
0xef: {  	v18 =	vld.idx.msk [tilespmem:v18+s4+$0x0], $0xffff  }
0xf0: {  	v19 =	vld.idx.msk [tilespmem:v19+s4+$0x0], $0xffff  }
0xf1: {  	v32 =	vadd.s32 $0x2710, v17;
	v21 =	vld.idx.msk [tilespmem:v21+s4+$0x0], $0xffff  }
0xf2: {  	v33 =	vld.idx.msk [tilespmem:v4+s4+$0x0], $0xffff  }
0xf3: {  	v4 =	vld [tilespmem:s28+$0xFFFFFFE0];
	v27 =	vmul.f32 v27, v31  }
0xf4: {  	v34 =	vld [tilespmem:s28+$0xFFFFFFF0]  }
0xf5: {  	[tilespmem:v23+s20+$0x0] =	vst.idx.add.f32.msk $0xffff, v27  }
0xf6: {  	v27 =	vld.idx.msk [tilespmem:v32+s4+$0x0], $0xffff  }
0xf7: {  	v32 =	vld [tilespmem:s28+$0x0]  }
0xf8: {  	v21 =	vmul.f32 v21, v4;
	v35 =	vld [tilespmem:s28+$0x10]  }
0xf9: {  	v37 =	vadd.s32 $0x2800, v23;
	v36 =	vld [tilespmem:s26+$0xFFFFFFE0];
	v18 =	vmul.f32 v18, v34  }
0xfa: {  	v39 =	vadd.s32 $0x4E20, v17;
	v38 =	vld [tilespmem:s26+$0xFFFFFFF0]  }
0xfb: {  	v40 =	vld [tilespmem:s26+$0x0]  }
0xfc: {  	v27 =	vmul.f32 v27, v31;
	v19 =	vmul.f32 v19, v32;
	v41 =	vld [tilespmem:s26+$0x10]  }
0xfd: {  	v33 =	vmul.f32 v33, v35;
	v42 =	vld.idx.msk [tilespmem:v7+s4+$0x0], $0xffff;
	v7 =	vmov v14  }
0xfe: {  	v43 =	vadd.s32 $0x2800, v36;
	v44 =	vadd.s32 $0x5000, v36;
	v45 =	vadd.s32 $0x7800, v36;
	[tilespmem:v37+s20+$0x0] =	vst.idx.add.f32.msk $0xffff, v27  }
0xff: {  	v27 =	vadd.s32 $0x2800, v38;
	v37 =	vadd.s32 $0x5000, v38;
	v46 =	vadd.s32 $0x7800, v38;
	v39 =	vld.idx.msk [tilespmem:v39+s4+$0x0], $0xffff  }
0x100: {  	v47 =	vadd.s32 $0x2800, v40;
	v14 =	vadd.s32 $0x5000, v40;
	v48 =	vadd.s32 $0x7800, v40;
	v49 =	vld.idx.msk [tilespmem:v8+s4+$0x0], $0xffff;
	v8 =	vmovc v15  }
0x101: {  	[tilespmem:v36+s20+$0x0] =	vst.idx.add.f32.msk $0xffff, v21;
	v21 =	vadd.s32 $0x2800, v41;
	v15 =	vadd.s32 $0x5000, v41;
	v36 =	vadd.s32 $0x7800, v41  }
0x102: {  	[tilespmem:v38+s20+$0x0] =	vst.idx.add.f32.msk $0xffff, v18;
	v18 =	vadd.s32 $0x5000, v23  }
0x103: {  	v17 =	vadd.s32 $0x7530, v17;
	[tilespmem:v40+s20+$0x0] =	vst.idx.add.f32.msk $0xffff, v19;
	v19 =	vmul.f32 v42, v1;
	v1 =	vmov v34  }
0x104: {  	[tilespmem:v41+s20+$0x0] =	vst.idx.add.f32.msk $0xffff, v33  }
0x105: {  	v33 =	vmul.f32 v39, v31;
	v28 =	vld.idx.msk [tilespmem:v28+s4+$0x0], $0xffff  }
0x106: {  	v34 =	vmul.f32 v49, v3;
	v3 =	vmov v32;
	v22 =	vld.idx.msk [tilespmem:v22+s4+$0x0], $0xffff  }
0x107: {  	[tilespmem:v18+s20+$0x0] =	vst.idx.add.f32.msk $0xffff, v33  }
0x108: {  	v17 =	vld.idx.msk [tilespmem:v17+s4+$0x0], $0xffff  }
0x109: {  	v16 =	vld.idx.msk [tilespmem:v16+s4+$0x0], $0xffff  }
0x10a: {  	v18 =	vld.idx.msk [tilespmem:v24+s4+$0x0], $0xffff  }
0x10b: {  	v23 =	vadd.s32 $0x7800, v23;
	v24 =	vmul.f32 v28, v4;
	v28 =	vld.idx.msk [tilespmem:v9+s4+$0x0], $0xffff;
	v9 =	vmov v26  }
0x10c: {  	v22 =	vmul.f32 v22, v1;
	[tilespmem:v6+s20+$0x0] =	vst.idx.add.f32.msk $0xffff, v20;
	v6 =	vmov v45  }
0x10d: {  	[tilespmem:v43+s20+$0x0] =	vst.idx.add.f32.msk $0xffff, v24  }
0x10e: {  	v17 =	vmul.f32 v17, v31;
	[tilespmem:v27+s20+$0x0] =	vst.idx.add.f32.msk $0xffff, v22  }
0x10f: {  	v16 =	vmul.f32 v16, v3;
	v20 =	vld.idx.msk [tilespmem:v29+s4+$0x0], $0xffff  }
0x110: {  	v18 =	vmul.f32 v18, v35;
	[tilespmem:v23+s20+$0x0] =	vst.idx.add.f32.msk $0xffff, v17  }
0x111: {  	[tilespmem:v47+s20+$0x0] =	vst.idx.add.f32.msk $0xffff, v16;
	v16 =	vmul.f32 v28, v2;
	v2 =	vmov v35  }
0x112: {  	[tilespmem:v21+s20+$0x0] =	vst.idx.add.f32.msk $0xffff, v18  }
0x113: {  	v17 =	vld.idx.msk [tilespmem:v12+s4+$0x0], $0xffff  }
0x114: {  	v13 =	vld.idx.msk [tilespmem:v13+s4+$0x0], $0xffff  }
0x115: {  	v12 =	vmul.f32 v20, v4;
	v18 =	vld.idx.msk [tilespmem:v25+s4+$0x0], $0xffff  }
0x116: {  	[tilespmem:v5+s20+$0x0] =	vst.idx.add.f32.msk $0xffff, v19;
	v5 =	vmov v46  }
.Ltmp4:
0x117: {  	[tilespmem:v44+s20+$0x0] =	vst.idx.add.f32.msk $0xffff, v12;
	(pc) =	sbr.rel @p1 .LBB2_7-.Ltmp4, $4  }
0x118: {  	v12 =	vld.idx.msk [tilespmem:v30+s4+$0x0], $0xffff  }
0x119: {  	v17 =	vmul.f32 v17, v1;
	[tilespmem:v10+s20+$0x0] =	vst.idx.add.f32.msk $0xffff, v34;
	v10 =	vmov v48  }
0x11a: {  	v13 =	vmul.f32 v13, v3;
	[tilespmem:v11+s20+$0x0] =	vst.idx.add.f32.msk $0xffff, v16;
	v11 =	vmov v36  }
0x11b: {  	s30 =	sadd.s32 $0x50, s30;
	v16 =	vmul.f32 v18, v2;
	[tilespmem:v37+s20+$0x0] =	vst.idx.add.f32.msk $0xffff, v17  }
0x11c: {  	_ =	sdelay $0x3  }
0x11d: {  	[tilespmem:v14+s20+$0x0] =	vst.idx.add.f32.msk $0xffff, v13  }
0x11e: {  	v7 =	vld.idx.msk [tilespmem:v7+s4+$0x0], $0xffff  }
0x11f: {  	[tilespmem:v15+s20+$0x0] =	vst.idx.add.f32.msk $0xffff, v16  }
0x120: {  	v8 =	vld.idx.msk [tilespmem:v8+s4+$0x0], $0xffff  }
0x121: {  	v9 =	vld.idx.msk [tilespmem:v9+s4+$0x0], $0xffff;
	_ =	sdelay $0x1  }
0x122: {  	v4 =	vmul.f32 v12, v4  }
.Ltmp5:
0x123: {  	v1 =	vmul.f32 v7, v1;
	(pc) =	sbr.rel @p0 .LBB2_10-.Ltmp5, $4  }
0x124: {  	[tilespmem:v6+s20+$0x0] =	vst.idx.add.f32.msk $0xffff, v4;
	v3 =	vmul.f32 v8, v3  }
0x125: {  	v2 =	vmul.f32 v9, v2;
	[tilespmem:v5+s20+$0x0] =	vst.idx.add.f32.msk $0xffff, v1  }
0x126: {  	[tilespmem:v10+s20+$0x0] =	vst.idx.add.f32.msk $0xffff, v3  }
0x127: {  	[tilespmem:v11+s20+$0x0] =	vst.idx.add.f32.msk $0xffff, v2  }
0x128: {  	s26 =	smul.u32 $0xFA0, s25;
	_ =	sdelay $0x1  }
0x129: {  	s26 =	sshrl.u32 s26, $0x3  }
0x12a: {  	s26 =	sadd.s32 $0x2EE, s26  }
0x12b: {  	s28 =	sadd.s32 s2, s26  }
0x12c: {  	[tilespmem:s16], [sflag:$0x2] =	stream.linear.gather [hbm4b:s28+s4], $0x7D0, $0x38;
	[tilespmem:$0x16C80] =	vst v63  }
.Ltmp6:
0x12d: {  	_ = 	snop;
	(pc) =	sbr.rel .LBB2_4-.Ltmp6, $4  }
0x12e: {  	s31 =	sadd.s32 s3, s26  }
0x12f: {  	[tilespmem:s17], [sflag:$0x2] =	stream.linear.gather [hbm4b:s31+s4], $0x7D0, $0x38;
	[tilespmem:$0x16C80] =	vst v63  }
0x130: {  	s25 =	sadd.s32 $0x1, s25;
	s26 =	sadd.s32 s5, s26  }
0x131: {  	[tilespmem:s18], [sflag:$0x2] =	stream.linear.gather [hbm4b:s26+s4], $0x7D0, $0x38;
	[tilespmem:$0x16C80] =	vst v63  }
.LBB2_11:
0x132: {  	_ =	sfence.sel $0x180000  }
0x133: {  	[bflag:$0x0] =	sbarrier.arrive $0xFFFF  }
0x134: {  	p0 =	sne.s32 s1, $0x0;
	_ =	strace $0x9000004A  }
0x135: {  	s0 =	sadd.s32 @!p0 $0x100000, s0;
	[bflag:$0x2] =	sbarrier.arrive $0xFFFF  }
0x136: {  	[sflag:s0] =	ssyncadd.tile.s32 @!p0 $0x1;
	_ =	shalt  }
.Lfunc_end2:
_tile_overlayer_lowered:
.L_overlay_start_2:
0x137: {  	(tag) =	ssettag $0x2  }
0x138: {  	s0 =	rddreg [dreg:$0x0];
	s2 =	stileid.u32  }
0x139: {  	s1 =	rddreg [dreg:$0x1];
	p0 =	sne.s32 s2, $0x0  }
0x13a: {  	s3 =	rddreg [dreg:$0x2];
	[bflag:$0x3] =	sbarrier.arrive $0xFFFF;
	s2 =	simm.s32 @!p0 $0x1C03  }
0x13b: {  	[timem:s3], [sflag:s2] =	dma.local @!p0 [hbm:s0], s1  }
0x13c: {  	s0 =	simm.s32 @!p0 $0x3  }
0x13d: {  	_ =	swait.ge @!p0 [sflag:s0], s1  }
0x13e: {  	s1 =	ssub.s32 @!p0 $0x0, s1;
	[sflag:s0] =	ssyncset.done @!p0 $0x0  }
0x13f: {  	[sflag:s0] =	ssyncadd.s32 @!p0 s1  }
0x140: {  	[bflag:$0x3] =	sbarrier.arrive $0xFFFF  }
0x141: {  	_ =	shalt  }

</sc_bundles>
